<compile_context>
chip_gen: v7x
topology: tpu7x:2x2x1
jax: 0.10.2.dev20260603
libtpu: 0.0.44.dev20260713+nightly
codegen_flags: <defaults>
</compile_context>

<pallas_src>
import functools

import jax
import jax.numpy as jnp
from jax import lax
from jax.experimental import pallas as pl
from jax.experimental.pallas import tpu as pltpu
from jax.experimental.pallas import tpu_sc as plsc

NC = 2
NS = 16
L = 16



def _mm_body(x_ref, w_ref, o_ref):
    o_ref[...] = lax.dot_general(x_ref[...], w_ref[...],
                                 (((1,), (1,)), ((), ())),
                                 preferred_element_type=jnp.float32)


def _matmul_split(nodes, w):
    n, h = nodes.shape
    bn = 2000
    return pl.pallas_call(
        _mm_body,
        grid=(n // bn,),
        in_specs=[
            pl.BlockSpec((bn, h), lambda i: (i, 0)),
            pl.BlockSpec((h, h), lambda i: (0, 0)),
        ],
        out_specs=pl.BlockSpec((bn, h), lambda i: (i, 0)),
        out_shape=jax.ShapeDtypeStruct((n, h), jnp.float32),
    )(nodes, w)



B = 125
SG = 40
EC = 125


@functools.cache
def _make_sc(n, h, a, e):
    hc = h // NC
    pw = a // NS
    nch = pw // B
    ept = e // NS
    mesh = plsc.VectorSubcoreMesh(core_axis_name="c", subcore_axis_name="s")

    @functools.partial(
        pl.kernel,
        out_type=[
            jax.ShapeDtypeStruct((a, h), jnp.float32),
            jax.ShapeDtypeStruct((e, h), jnp.float32),
        ],
        mesh=mesh,
        compiler_params=pltpu.CompilerParams(use_tc_tiling_on_sc=False, needs_layout_passes=False),
        scratch_types=[
            pltpu.VMEM((SG, B), jnp.int32),
            pltpu.VMEM((SG, B), jnp.int32),
            pltpu.VMEM((3, B, hc), jnp.float32),
            pltpu.VMEM((B, 8), jnp.float32),
            pltpu.VMEM((2 * EC, 8), jnp.float32),
            pltpu.VMEM_SHARED((e, hc), jnp.float32),
            pltpu.VMEM_SHARED((e, 8), jnp.float32),
            pltpu.SemaphoreType.DMA,
            pltpu.SemaphoreType.DMA,
            pltpu.SemaphoreType.DMA,
            pltpu.SemaphoreType.DMA,
        ],
    )
    def sc_fn(table_hbm, gidx_hbm, eid_hbm, ones_hbm, out1_hbm, out2_hbm,
              gidx_v, eid_v, rows_v, ones_v, dstg_v,
              agg_sh, deg_sh, sem_g, sem_s, sem_w, sem_d):
        c = lax.axis_index("c")
        s = lax.axis_index("s")
        e0 = s * ept
        a0 = s * pw

        pltpu.sync_copy(ones_hbm, ones_v)

        def _zero_row(i, _):
            z = jnp.zeros((L,), jnp.float32)
            for k in range(hc // L):
                rows_v[0, i, pl.ds(k * L, L)] = z
            return 0
        lax.fori_loop(0, B, _zero_row, 0)

        def _zero_sh(q, _):
            pltpu.sync_copy(rows_v.at[0],
                            agg_sh.at[pl.ds(e0 + q * B, B)])
            pltpu.sync_copy(rows_v.at[0].at[pl.ds(0, B), pl.ds(0, 8)],
                            deg_sh.at[pl.ds(e0 + q * B, B)])
            return 0
        lax.fori_loop(0, ept // B, _zero_sh, 0)
        plsc.subcore_barrier()

        def _grp1(q, _):
            r0 = s * nch + q * SG
            pltpu.sync_copy(gidx_hbm.at[c, pl.ds(r0, SG)], gidx_v)
            pltpu.sync_copy(eid_hbm.at[pl.ds(r0, SG)], eid_v)
            pltpu.async_copy(table_hbm.at[gidx_v.at[0]], rows_v.at[0], sem_g)
            pltpu.async_copy(table_hbm.at[gidx_v.at[1]], rows_v.at[1], sem_g)

            def _chunk(j, _):
                cur = lax.rem(j, 3)
                pltpu.make_async_copy(
                    table_hbm.at[gidx_v.at[j]], rows_v.at[cur], sem_g).wait()

                @pl.when(j >= 1)
                def _():
                    pltpu.make_async_copy(
                        rows_v.at[lax.rem(j + 2, 3)],
                        agg_sh.at[eid_v.at[j - 1]], sem_s).wait()

                @pl.when(j + 2 < SG)
                def _():
                    pltpu.async_copy(
                        table_hbm.at[gidx_v.at[j + 2]],
                        rows_v.at[lax.rem(j + 2, 3)], sem_g)

                pltpu.async_copy(
                    rows_v.at[cur], agg_sh.at[eid_v.at[j]], sem_s, add=True)
                pltpu.async_copy(ones_v, deg_sh.at[eid_v.at[j]], sem_d,
                                 add=True)
                return 0
            lax.fori_loop(0, SG, _chunk, 0)
            pltpu.make_async_copy(
                rows_v.at[(SG - 1) % 3], agg_sh.at[eid_v.at[SG - 1]],
                sem_s).wait()

            def _drain(j, _):
                pltpu.make_async_copy(
                    ones_v, deg_sh.at[eid_v.at[0]], sem_d).wait()
                return 0
            lax.fori_loop(0, SG, _drain, 0)
            return 0
        lax.fori_loop(0, nch // SG, _grp1, 0)
        plsc.subcore_barrier()

        ng2 = ept // EC

        def _stage2(q, buf):
            eq = e0 + q * EC
            pltpu.async_copy(agg_sh.at[pl.ds(eq, EC)], rows_v.at[buf].at[pl.ds(0, EC)], sem_g)
            pltpu.async_copy(deg_sh.at[pl.ds(eq, EC)], dstg_v.at[pl.ds(buf * EC, EC)], sem_g)

        def _unstage2(q, buf):
            eq = e0 + q * EC
            pltpu.make_async_copy(agg_sh.at[pl.ds(eq, EC)], rows_v.at[buf].at[pl.ds(0, EC)], sem_g).wait()
            pltpu.make_async_copy(deg_sh.at[pl.ds(eq, EC)], dstg_v.at[pl.ds(buf * EC, EC)], sem_g).wait()

        def _wrwait2(q, buf):
            eq = e0 + q * EC
            pltpu.make_async_copy(rows_v.at[buf].at[pl.ds(0, EC)], agg_sh.at[pl.ds(eq, EC)], sem_s).wait()
            pltpu.make_async_copy(rows_v.at[buf].at[pl.ds(0, EC)], out2_hbm.at[pl.ds(eq, EC), pl.ds(c * hc, hc)], sem_w).wait()

        _stage2(0, 0)

        def _grp2(q, _):
            eq = e0 + q * EC
            cur = lax.rem(q, 2)
            nxt = 1 - cur
            _unstage2(q, cur)

            @pl.when(q >= 1)
            def _():
                _wrwait2(q - 1, nxt)

            @pl.when(q + 1 < ng2)
            def _():
                _stage2(q + 1, nxt)

            def _scale_row(i, _):
                ridx = jnp.full((L,), cur * EC + i, jnp.int32)
                cidx = jnp.zeros((L,), jnp.int32)
                inv = 1.0 / plsc.load_gather(dstg_v, [ridx, cidx])
                for k in range(hc // L):
                    sl = pl.ds(k * L, L)
                    rows_v[cur, i, sl] = rows_v[cur, i, sl] * inv
                return 0
            lax.fori_loop(0, EC, _scale_row, 0)
            pltpu.async_copy(rows_v.at[cur].at[pl.ds(0, EC)], agg_sh.at[pl.ds(eq, EC)], sem_s)
            pltpu.async_copy(rows_v.at[cur].at[pl.ds(0, EC)], out2_hbm.at[pl.ds(eq, EC), pl.ds(c * hc, hc)], sem_w)
            return 0
        lax.fori_loop(0, ng2, _grp2, 0)
        _wrwait2(ng2 - 1, lax.rem(ng2 - 1, 2))
        plsc.subcore_barrier()

        def _grp3(q, _):
            pltpu.sync_copy(eid_hbm.at[pl.ds(s * nch + q * SG, SG)], eid_v)
            pltpu.async_copy(agg_sh.at[eid_v.at[0]], rows_v.at[0], sem_g)
            pltpu.async_copy(agg_sh.at[eid_v.at[1]], rows_v.at[1], sem_g)

            def _chunk(j, _):
                cur = lax.rem(j, 3)
                pltpu.make_async_copy(
                    agg_sh.at[eid_v.at[j]], rows_v.at[cur], sem_g).wait()

                @pl.when(j >= 1)
                def _():
                    pltpu.make_async_copy(
                        rows_v.at[lax.rem(j + 2, 3)],
                        out1_hbm.at[pl.ds(a0 + (q * SG + j - 1) * B, B),
                                    pl.ds(c * hc, hc)],
                        sem_w).wait()

                @pl.when(j + 2 < SG)
                def _():
                    pltpu.async_copy(
                        agg_sh.at[eid_v.at[j + 2]],
                        rows_v.at[lax.rem(j + 2, 3)], sem_g)

                pltpu.async_copy(
                    rows_v.at[cur],
                    out1_hbm.at[pl.ds(a0 + (q * SG + j) * B, B),
                                pl.ds(c * hc, hc)], sem_w)
                return 0
            lax.fori_loop(0, SG, _chunk, 0)
            pltpu.make_async_copy(
                rows_v.at[(SG - 1) % 3],
                out1_hbm.at[pl.ds(a0 + (q * SG + SG - 1) * B, B),
                            pl.ds(c * hc, hc)],
                sem_w).wait()
            return 0
        lax.fori_loop(0, nch // SG, _grp3, 0)

    return sc_fn



def kernel(nodes_representations, hyperedge_arg_node_idxs,
           unq_hyperedge_type_reprs, hyperedge_type_name_unq_idxs,
           unq_hyperedge_arg_name_reprs, hyperedge_arg_name_unq_idxs,
           hyperedge_arg_to_edge_id, num_edges, W):
    n, h = nodes_representations.shape
    a = hyperedge_arg_node_idxs.shape[0]
    e = hyperedge_type_name_unq_idxs.shape[0]

    table = _matmul_split(nodes_representations, W).reshape(NC * n, h // NC)

    idx2 = 2 * hyperedge_arg_node_idxs.astype(jnp.int32)
    gidx = jnp.stack([idx2, idx2 + 1]).reshape(NC, a // B, B)
    eid2 = hyperedge_arg_to_edge_id.astype(jnp.int32).reshape(a // B, B)

    ones8 = jnp.ones((B, 8), jnp.float32)
    out1, out2 = _make_sc(n, h, a, e)(table, gidx, eid2, ones8)
    return out1, out2

# --- scband reference (transcript-rebuilt; emitter-appended) ---
"""Pipeline reference for scband-hgnn-73177652789993 (READ-ONLY COPY).

The authoritative reference and input builder live on the scoring server;
editing this copy changes nothing except your own understanding.
"""

import jax, jax.numpy as jnp
import numpy as np

N, H, A, E, K, AN = 10000, 128, 320000, 20000, 64, 32

def setup_inputs(seed: int = 0) -> dict:
    key = jax.random.key(seed)
    ks = jax.random.split(key, 8)
    nodes_representations = jax.random.normal(ks[0], (N, H), dtype=jnp.float32)
    hyperedge_arg_node_idxs = jax.random.randint(ks[1], (A,), 0, N)
    unq_hyperedge_type_reprs = jax.random.normal(ks[2], (E, H), dtype=jnp.float32)
    hyperedge_type_name_unq_idxs = jax.random.randint(ks[3], (E,), 0, E)
    unq_hyperedge_arg_name_reprs = jax.random.normal(ks[4], (K, AN), dtype=jnp.float32)
    hyperedge_arg_name_unq_idxs = jax.random.randint(ks[5], (A,), 0, K)
    hyperedge_arg_to_edge_id = jnp.sort(jax.random.randint(ks[6], (A,), 0, E))
    W = jax.random.normal(ks[7], (H, H), dtype=jnp.float32) * (1.0 / np.sqrt(H))
    return {
        "nodes_representations": nodes_representations,
        "hyperedge_arg_node_idxs": hyperedge_arg_node_idxs,
        "unq_hyperedge_type_reprs": unq_hyperedge_type_reprs,
        "hyperedge_type_name_unq_idxs": hyperedge_type_name_unq_idxs,
        "unq_hyperedge_arg_name_reprs": unq_hyperedge_arg_name_reprs,
        "hyperedge_arg_name_unq_idxs": hyperedge_arg_name_unq_idxs,
        "hyperedge_arg_to_edge_id": hyperedge_arg_to_edge_id,
        "num_edges": E,
        "W": W,
    }

def reference(nodes_representations, hyperedge_arg_node_idxs, unq_hyperedge_type_reprs,
              hyperedge_type_name_unq_idxs, unq_hyperedge_arg_name_reprs,
              hyperedge_arg_name_unq_idxs, hyperedge_arg_to_edge_id, num_edges, W):
    # inverse edge degree: scatter_sum of ones over edge ids, dim_size = type_unq_idxs.shape[0]
    num_edges_static = hyperedge_type_name_unq_idxs.shape[0]
    deg = jax.ops.segment_sum(
        jnp.ones((hyperedge_arg_node_idxs.shape[0],), dtype=jnp.float32),
        hyperedge_arg_to_edge_id,
        num_segments=num_edges_static,
    )
    inverse_edge_degree = deg ** (-1)
    # linear_map (bias=False): x @ W^T
    transformed = nodes_representations @ W.T
    # gather per-incidence node representations
    hyperedge_arg_node_reprs = jnp.take(transformed, hyperedge_arg_node_idxs, axis=0)
    # use_arg_names=False -> arg reprs are just the node reprs
    hyperedge_arg_reprs = hyperedge_arg_node_reprs
    # scatter-sum into hyperedges, then mean via inverse degree
    hyperedge_aggregated_msgs = jax.ops.segment_sum(
        hyperedge_arg_reprs, hyperedge_arg_to_edge_id, num_segments=num_edges_static
    ) * inverse_edge_degree[:, None] + jnp.zeros((), dtype=jnp.float32) * num_edges
    return (jnp.take(hyperedge_aggregated_msgs, hyperedge_arg_to_edge_id, axis=0),
            hyperedge_aggregated_msgs)

if __name__ == "__main__":
    import jax
    _d = setup_inputs()
    print(jax.jit(kernel)(*tuple(_d.values())))

</pallas_src>

<mosaic_0001>
#map = affine_map<(d0, d1) -> (0, 0)>
#map1 = affine_map<(d0, d1) -> (0, 0, 0)>
module attributes {stable_mosaic.version = 14 : i64} {
  func.func @sc_fn(%arg0: i32, %arg1: i32, %arg2: memref<20000x64xf32, #tpu.memory_space<hbm>>, %arg3: memref<2x2560x125xi32, #tpu.memory_space<hbm>>, %arg4: memref<2560x125xi32, #tpu.memory_space<hbm>>, %arg5: memref<125x8xf32, #tpu.memory_space<hbm>>, %arg6: memref<320000x128xf32, #tpu.memory_space<hbm>>, %arg7: memref<20000x128xf32, #tpu.memory_space<hbm>>, %arg8: memref<40x125xi32, #tpu.memory_space<vmem>>, %arg9: memref<40x125xi32, #tpu.memory_space<vmem>>, %arg10: memref<3x125x64xf32, #tpu.memory_space<vmem>>, %arg11: memref<125x8xf32, #tpu.memory_space<vmem>>, %arg12: memref<250x8xf32, #tpu.memory_space<vmem>>, %arg13: memref<20000x64xf32, #tpu.memory_space<vmem_shared>>, %arg14: memref<20000x8xf32, #tpu.memory_space<vmem_shared>>, %arg15: memref<!tpu.dma_semaphore, #tpu.memory_space<semaphore_mem>>, %arg16: memref<!tpu.dma_semaphore, #tpu.memory_space<semaphore_mem>>, %arg17: memref<!tpu.dma_semaphore, #tpu.memory_space<semaphore_mem>>, %arg18: memref<!tpu.dma_semaphore, #tpu.memory_space<semaphore_mem>>) attributes {dimension_semantics = [#tpu.dimension_semantics<core_parallel>, #tpu.dimension_semantics<subcore_parallel>], iteration_bounds = array<i64: 2, 16>, scalar_prefetch = 0 : i64, scratch_operands = 11 : i64, tpu.core_type = #tpu.core_type<sc_vector_subcore>, window_params = [{transform_indices = #map}, {transform_indices = #map1}, {transform_indices = #map}, {transform_indices = #map}, {transform_indices = #map}, {transform_indices = #map}]} {
    %mul3A = arith.constant 1250 : i32
    %mul3A_0 = arith.muli %arg1, %mul3A : i32
    %mul3A_1 = arith.constant 20000 : i32
    %mul3A_2 = arith.muli %arg1, %mul3A_1 : i32
    "tpu.region"() ({
      %run_scoped3A = tpu.sem_alloc : memref<!tpu.dma_semaphore, #tpu.memory_space<semaphore_mem>>
      tpu.enqueue_dma source(%arg5 : memref<125x8xf32, #tpu.memory_space<hbm>>) target(%arg11 : memref<125x8xf32, #tpu.memory_space<vmem>>) target_semaphore(%run_scoped3A : memref<!tpu.dma_semaphore, #tpu.memory_space<semaphore_mem>>)
      tpu.wait_dma2 semaphore(%run_scoped3A : memref<!tpu.dma_semaphore, #tpu.memory_space<semaphore_mem>>) src(%arg5 : memref<125x8xf32, #tpu.memory_space<hbm>>) dst(%arg11 : memref<125x8xf32, #tpu.memory_space<vmem>>)
      tpu.yield
    }) : () -> ()
    %scan3A = arith.constant 0 : i32
    %scan3A_3 = arith.constant 0 : i32
    %scan3A_4 = arith.constant 125 : i32
    %scan3A_5 = arith.addi %scan3A_3, %scan3A_4 : i32
    %scan3A_6 = arith.constant 1 : i32
    %scan3A_7 = scf.for %scan3A_107 = %scan3A_3 to %scan3A_5 step %scan3A_6 iter_args(%scan3A_108 = %scan3A) -> (i32)  : i32 {
      %broadcast_in_dim3A = arith.constant 0.000000e+00 : f32
      %broadcast_in_dim3A_109 = vector.broadcast %broadcast_in_dim3A : f32 to vector<16xf32>
      %swap3A = arith.constant 0 : i32
      %swap3A_110 = arith.index_cast %swap3A : i32 to index
      %swap3A_111 = arith.index_cast %scan3A_107 : i32 to index
      %swap3A_112 = arith.constant 0 : index
      %swap3A_113 = tpu.vector_load %arg10[%swap3A_110, %swap3A_111, %swap3A_112] {strides = array<i32>} : memref<3x125x64xf32, #tpu.memory_space<vmem>>, vector<16xf32>,
      tpu.vector_store %arg10[%swap3A_110, %swap3A_111, %swap3A_112], %broadcast_in_dim3A_109 {strides = array<i32>} : memref<3x125x64xf32, #tpu.memory_space<vmem>>, vector<16xf32>,
      %swap3A_114 = arith.constant 0 : i32
      %swap3A_115 = arith.index_cast %swap3A_114 : i32 to index
      %swap3A_116 = arith.index_cast %scan3A_107 : i32 to index
      %swap3A_117 = arith.constant 16 : index
      %swap3A_118 = tpu.vector_load %arg10[%swap3A_115, %swap3A_116, %swap3A_117] {strides = array<i32>} : memref<3x125x64xf32, #tpu.memory_space<vmem>>, vector<16xf32>,
      tpu.vector_store %arg10[%swap3A_115, %swap3A_116, %swap3A_117], %broadcast_in_dim3A_109 {strides = array<i32>} : memref<3x125x64xf32, #tpu.memory_space<vmem>>, vector<16xf32>,
      %swap3A_119 = arith.constant 0 : i32
      %swap3A_120 = arith.index_cast %swap3A_119 : i32 to index
      %swap3A_121 = arith.index_cast %scan3A_107 : i32 to index
      %swap3A_122 = arith.constant 32 : index
      %swap3A_123 = tpu.vector_load %arg10[%swap3A_120, %swap3A_121, %swap3A_122] {strides = array<i32>} : memref<3x125x64xf32, #tpu.memory_space<vmem>>, vector<16xf32>,
      tpu.vector_store %arg10[%swap3A_120, %swap3A_121, %swap3A_122], %broadcast_in_dim3A_109 {strides = array<i32>} : memref<3x125x64xf32, #tpu.memory_space<vmem>>, vector<16xf32>,
      %swap3A_124 = arith.constant 0 : i32
      %swap3A_125 = arith.index_cast %swap3A_124 : i32 to index
      %swap3A_126 = arith.index_cast %scan3A_107 : i32 to index
      %swap3A_127 = arith.constant 48 : index
      %swap3A_128 = tpu.vector_load %arg10[%swap3A_125, %swap3A_126, %swap3A_127] {strides = array<i32>} : memref<3x125x64xf32, #tpu.memory_space<vmem>>, vector<16xf32>,
      tpu.vector_store %arg10[%swap3A_125, %swap3A_126, %swap3A_127], %broadcast_in_dim3A_109 {strides = array<i32>} : memref<3x125x64xf32, #tpu.memory_space<vmem>>, vector<16xf32>,
      %scan3A_129 = arith.constant 0 : i32
      scf.yield %scan3A_129 : i32
    }
    %scan3A_8 = arith.constant 125 : i32
    %scan3A_9 = arith.constant 0 : i32
    %scan3A_10 = arith.constant 0 : i32
    %scan3A_11 = arith.constant 10 : i32
    %scan3A_12 = arith.addi %scan3A_10, %scan3A_11 : i32
    %scan3A_13 = arith.constant 1 : i32
    %scan3A_14 = scf.for %scan3A_107 = %scan3A_10 to %scan3A_12 step %scan3A_13 iter_args(%scan3A_108 = %scan3A_9) -> (i32)  : i32 {
      %mul3A_109 = arith.constant 125 : i32
      %mul3A_110 = arith.muli %scan3A_107, %mul3A_109 : i32
      %add3A_111 = arith.addi %mul3A_0, %mul3A_110 : i32
      %run_scoped3A = arith.constant 0 : i32
      "tpu.region"() ({
        %run_scoped3A_117 = tpu.sem_alloc : memref<!tpu.dma_semaphore, #tpu.memory_space<semaphore_mem>>
        %dma_start3A_118 = arith.constant 0 : i32
        %dma_start3A_119 = arith.constant 0 : i32
        %dma_start3A_120 = tpu.memref_slice %arg10[%run_scoped3A, %dma_start3A_118, %dma_start3A_119] : memref<3x125x64xf32, #tpu.memory_space<vmem>> -> memref<1x125x64xf32, #tpu.memory_space<vmem>>
        %dma_start3A_121 = tpu.memref_squeeze %dma_start3A_120 : memref<1x125x64xf32, #tpu.memory_space<vmem>> -> memref<125x64xf32, #tpu.memory_space<vmem>>
        %dma_start3A_122 = arith.constant 0 : i32
        %dma_start3A_123 = tpu.memref_slice %arg13[%add3A_111, %dma_start3A_122] : memref<20000x64xf32, #tpu.memory_space<vmem_shared>> -> memref<125x64xf32, #tpu.memory_space<vmem_shared>>
        %dma_start3A_124 = arith.constant 0 : i32
        %dma_start3A_125 = tpu.memref_slice %arg13[%add3A_111, %dma_start3A_124] : memref<20000x64xf32, #tpu.memory_space<vmem_shared>> -> memref<125x64xf32, #tpu.memory_space<vmem_shared>>
        %dma_start3A_126 = arith.constant 0 : i32
        %dma_start3A_127 = arith.constant 0 : i32
        %dma_start3A_128 = tpu.memref_slice %arg10[%run_scoped3A, %dma_start3A_126, %dma_start3A_127] : memref<3x125x64xf32, #tpu.memory_space<vmem>> -> memref<1x125x64xf32, #tpu.memory_space<vmem>>
        %dma_start3A_129 = tpu.memref_squeeze %dma_start3A_128 : memref<1x125x64xf32, #tpu.memory_space<vmem>> -> memref<125x64xf32, #tpu.memory_space<vmem>>
        tpu.enqueue_dma source(%dma_start3A_129 : memref<125x64xf32, #tpu.memory_space<vmem>>) target(%dma_start3A_125 : memref<125x64xf32, #tpu.memory_space<vmem_shared>>) target_semaphore(%run_scoped3A_117 : memref<!tpu.dma_semaphore, #tpu.memory_space<semaphore_mem>>)
        %dma_wait3A_130 = arith.constant 0 : i32
        %dma_wait3A_131 = arith.constant 0 : i32
        %dma_wait3A_132 = tpu.memref_slice %arg10[%run_scoped3A, %dma_wait3A_130, %dma_wait3A_131] : memref<3x125x64xf32, #tpu.memory_space<vmem>> -> memref<1x125x64xf32, #tpu.memory_space<vmem>>
        %dma_wait3A_133 = tpu.memref_squeeze %dma_wait3A_132 : memref<1x125x64xf32, #tpu.memory_space<vmem>> -> memref<125x64xf32, #tpu.memory_space<vmem>>
        %dma_wait3A_134 = arith.constant 0 : i32
        %dma_wait3A_135 = tpu.memref_slice %arg13[%add3A_111, %dma_wait3A_134] : memref<20000x64xf32, #tpu.memory_space<vmem_shared>> -> memref<125x64xf32, #tpu.memory_space<vmem_shared>>
        %dma_wait3A_136 = arith.constant 0 : i32
        %dma_wait3A_137 = tpu.memref_slice %arg13[%add3A_111, %dma_wait3A_136] : memref<20000x64xf32, #tpu.memory_space<vmem_shared>> -> memref<125x64xf32, #tpu.memory_space<vmem_shared>>
        %dma_wait3A_138 = arith.constant 0 : i32
        %dma_wait3A_139 = arith.constant 0 : i32
        %dma_wait3A_140 = tpu.memref_slice %arg10[%run_scoped3A, %dma_wait3A_138, %dma_wait3A_139] : memref<3x125x64xf32, #tpu.memory_space<vmem>> -> memref<1x125x64xf32, #tpu.memory_space<vmem>>
        %dma_wait3A_141 = tpu.memref_squeeze %dma_wait3A_140 : memref<1x125x64xf32, #tpu.memory_space<vmem>> -> memref<125x64xf32, #tpu.memory_space<vmem>>
        tpu.wait_dma2 semaphore(%run_scoped3A_117 : memref<!tpu.dma_semaphore, #tpu.memory_space<semaphore_mem>>) src(%dma_wait3A_141 : memref<125x64xf32, #tpu.memory_space<vmem>>) dst(%dma_wait3A_137 : memref<125x64xf32, #tpu.memory_space<vmem_shared>>)
        tpu.yield
      }) : () -> ()
      %mul3A_112 = arith.constant 125 : i32
      %mul3A_113 = arith.muli %scan3A_107, %mul3A_112 : i32
      %add3A_114 = arith.addi %mul3A_0, %mul3A_113 : i32
      %run_scoped3A_115 = arith.constant 0 : i32
      "tpu.region"() ({
        %run_scoped3A_117 = tpu.sem_alloc : memref<!tpu.dma_semaphore, #tpu.memory_space<semaphore_mem>>
        %dma_start3A_118 = arith.constant 0 : i32
        %dma_start3A_119 = arith.constant 0 : i32
        %dma_start3A_120 = tpu.memref_slice %arg10[%run_scoped3A_115, %dma_start3A_118, %dma_start3A_119] : memref<3x125x64xf32, #tpu.memory_space<vmem>> -> memref<1x125x64xf32, #tpu.memory_space<vmem>>
        %dma_start3A_121 = tpu.memref_squeeze %dma_start3A_120 : memref<1x125x64xf32, #tpu.memory_space<vmem>> -> memref<125x64xf32, #tpu.memory_space<vmem>>
        %dma_start3A_122 = arith.constant 0 : i32
        %dma_start3A_123 = arith.constant 0 : i32
        %dma_start3A_124 = tpu.memref_slice %dma_start3A_121[%dma_start3A_122, %dma_start3A_123] : memref<125x64xf32, #tpu.memory_space<vmem>> -> memref<125x8xf32, #tpu.memory_space<vmem>>
        %dma_start3A_125 = arith.constant 0 : i32
        %dma_start3A_126 = tpu.memref_slice %arg14[%add3A_114, %dma_start3A_125] : memref<20000x8xf32, #tpu.memory_space<vmem_shared>> -> memref<125x8xf32, #tpu.memory_space<vmem_shared>>
        %dma_start3A_127 = arith.constant 0 : i32
        %dma_start3A_128 = tpu.memref_slice %arg14[%add3A_114, %dma_start3A_127] : memref<20000x8xf32, #tpu.memory_space<vmem_shared>> -> memref<125x8xf32, #tpu.memory_space<vmem_shared>>
        %dma_start3A_129 = arith.constant 0 : i32
        %dma_start3A_130 = arith.constant 0 : i32
        %dma_start3A_131 = tpu.memref_slice %arg10[%run_scoped3A_115, %dma_start3A_129, %dma_start3A_130] : memref<3x125x64xf32, #tpu.memory_space<vmem>> -> memref<1x125x64xf32, #tpu.memory_space<vmem>>
        %dma_start3A_132 = tpu.memref_squeeze %dma_start3A_131 : memref<1x125x64xf32, #tpu.memory_space<vmem>> -> memref<125x64xf32, #tpu.memory_space<vmem>>
        %dma_start3A_133 = arith.constant 0 : i32
        %dma_start3A_134 = arith.constant 0 : i32
        %dma_start3A_135 = tpu.memref_slice %dma_start3A_132[%dma_start3A_133, %dma_start3A_134] : memref<125x64xf32, #tpu.memory_space<vmem>> -> memref<125x8xf32, #tpu.memory_space<vmem>>
        tpu.enqueue_dma source(%dma_start3A_135 : memref<125x8xf32, #tpu.memory_space<vmem>>) target(%dma_start3A_128 : memref<125x8xf32, #tpu.memory_space<vmem_shared>>) target_semaphore(%run_scoped3A_117 : memref<!tpu.dma_semaphore, #tpu.memory_space<semaphore_mem>>)
        %dma_wait3A_136 = arith.constant 0 : i32
        %dma_wait3A_137 = arith.constant 0 : i32
        %dma_wait3A_138 = tpu.memref_slice %arg10[%run_scoped3A_115, %dma_wait3A_136, %dma_wait3A_137] : memref<3x125x64xf32, #tpu.memory_space<vmem>> -> memref<1x125x64xf32, #tpu.memory_space<vmem>>
        %dma_wait3A_139 = tpu.memref_squeeze %dma_wait3A_138 : memref<1x125x64xf32, #tpu.memory_space<vmem>> -> memref<125x64xf32, #tpu.memory_space<vmem>>
        %dma_wait3A_140 = arith.constant 0 : i32
        %dma_wait3A_141 = arith.constant 0 : i32
        %dma_wait3A_142 = tpu.memref_slice %dma_wait3A_139[%dma_wait3A_140, %dma_wait3A_141] : memref<125x64xf32, #tpu.memory_space<vmem>> -> memref<125x8xf32, #tpu.memory_space<vmem>>
        %dma_wait3A_143 = arith.constant 0 : i32
        %dma_wait3A_144 = tpu.memref_slice %arg14[%add3A_114, %dma_wait3A_143] : memref<20000x8xf32, #tpu.memory_space<vmem_shared>> -> memref<125x8xf32, #tpu.memory_space<vmem_shared>>
        %dma_wait3A_145 = arith.constant 0 : i32
        %dma_wait3A_146 = tpu.memref_slice %arg14[%add3A_114, %dma_wait3A_145] : memref<20000x8xf32, #tpu.memory_space<vmem_shared>> -> memref<125x8xf32, #tpu.memory_space<vmem_shared>>
        %dma_wait3A_147 = arith.constant 0 : i32
        %dma_wait3A_148 = arith.constant 0 : i32
        %dma_wait3A_149 = tpu.memref_slice %arg10[%run_scoped3A_115, %dma_wait3A_147, %dma_wait3A_148] : memref<3x125x64xf32, #tpu.memory_space<vmem>> -> memref<1x125x64xf32, #tpu.memory_space<vmem>>
        %dma_wait3A_150 = tpu.memref_squeeze %dma_wait3A_149 : memref<1x125x64xf32, #tpu.memory_space<vmem>> -> memref<125x64xf32, #tpu.memory_space<vmem>>
        %dma_wait3A_151 = arith.constant 0 : i32
        %dma_wait3A_152 = arith.constant 0 : i32
        %dma_wait3A_153 = tpu.memref_slice %dma_wait3A_150[%dma_wait3A_151, %dma_wait3A_152] : memref<125x64xf32, #tpu.memory_space<vmem>> -> memref<125x8xf32, #tpu.memory_space<vmem>>
        tpu.wait_dma2 semaphore(%run_scoped3A_117 : memref<!tpu.dma_semaphore, #tpu.memory_space<semaphore_mem>>) src(%dma_wait3A_153 : memref<125x8xf32, #tpu.memory_space<vmem>>) dst(%dma_wait3A_146 : memref<125x8xf32, #tpu.memory_space<vmem_shared>>)
        tpu.yield
      }) : () -> ()
      %scan3A_116 = arith.constant 0 : i32
      scf.yield %scan3A_116 : i32
    }
    %scan3A_15 = arith.constant 10 : i32
    %barrier3A = arith.constant 0 : index
    tpu.barrier barrier_id(%barrier3A)
    %scan3A_16 = arith.constant 0 : i32
    %scan3A_17 = arith.constant 0 : i32
    %scan3A_18 = arith.constant 4 : i32
    %scan3A_19 = arith.addi %scan3A_17, %scan3A_18 : i32
    %scan3A_20 = arith.constant 1 : i32
    %scan3A_21 = scf.for %scan3A_107 = %scan3A_17 to %scan3A_19 step %scan3A_20 iter_args(%scan3A_108 = %scan3A_16) -> (i32)  : i32 {
      %mul3A_109 = arith.constant 160 : i32
      %mul3A_110 = arith.muli %arg1, %mul3A_109 : i32
      %mul3A_111 = arith.constant 40 : i32
      %mul3A_112 = arith.muli %scan3A_107, %mul3A_111 : i32
      %add3A_113 = arith.addi %mul3A_110, %mul3A_112 : i32
      "tpu.region"() ({
        %run_scoped3A = tpu.sem_alloc : memref<!tpu.dma_semaphore, #tpu.memory_space<semaphore_mem>>
        %dma_start3A_165 = arith.constant 0 : i32
        %dma_start3A_166 = tpu.memref_slice %arg3[%arg0, %add3A_113, %dma_start3A_165] : memref<2x2560x125xi32, #tpu.memory_space<hbm>> -> memref<1x40x125xi32, #tpu.memory_space<hbm>>
        %dma_start3A_167 = tpu.memref_squeeze %dma_start3A_166 : memref<1x40x125xi32, #tpu.memory_space<hbm>> -> memref<40x125xi32, #tpu.memory_space<hbm>>
        %dma_start3A_168 = arith.constant 0 : i32
        %dma_start3A_169 = tpu.memref_slice %arg3[%arg0, %add3A_113, %dma_start3A_168] : memref<2x2560x125xi32, #tpu.memory_space<hbm>> -> memref<1x40x125xi32, #tpu.memory_space<hbm>>
        %dma_start3A_170 = tpu.memref_squeeze %dma_start3A_169 : memref<1x40x125xi32, #tpu.memory_space<hbm>> -> memref<40x125xi32, #tpu.memory_space<hbm>>
        tpu.enqueue_dma source(%dma_start3A_170 : memref<40x125xi32, #tpu.memory_space<hbm>>) target(%arg8 : memref<40x125xi32, #tpu.memory_space<vmem>>) target_semaphore(%run_scoped3A : memref<!tpu.dma_semaphore, #tpu.memory_space<semaphore_mem>>)
        %dma_wait3A_171 = arith.constant 0 : i32
        %dma_wait3A_172 = tpu.memref_slice %arg3[%arg0, %add3A_113, %dma_wait3A_171] : memref<2x2560x125xi32, #tpu.memory_space<hbm>> -> memref<1x40x125xi32, #tpu.memory_space<hbm>>
        %dma_wait3A_173 = tpu.memref_squeeze %dma_wait3A_172 : memref<1x40x125xi32, #tpu.memory_space<hbm>> -> memref<40x125xi32, #tpu.memory_space<hbm>>
        %dma_wait3A_174 = arith.constant 0 : i32
        %dma_wait3A_175 = tpu.memref_slice %arg3[%arg0, %add3A_113, %dma_wait3A_174] : memref<2x2560x125xi32, #tpu.memory_space<hbm>> -> memref<1x40x125xi32, #tpu.memory_space<hbm>>
        %dma_wait3A_176 = tpu.memref_squeeze %dma_wait3A_175 : memref<1x40x125xi32, #tpu.memory_space<hbm>> -> memref<40x125xi32, #tpu.memory_space<hbm>>
        tpu.wait_dma2 semaphore(%run_scoped3A : memref<!tpu.dma_semaphore, #tpu.memory_space<semaphore_mem>>) src(%dma_wait3A_176 : memref<40x125xi32, #tpu.memory_space<hbm>>) dst(%arg8 : memref<40x125xi32, #tpu.memory_space<vmem>>)
        tpu.yield
      }) : () -> ()
      "tpu.region"() ({
        %run_scoped3A = tpu.sem_alloc : memref<!tpu.dma_semaphore, #tpu.memory_space<semaphore_mem>>
        %dma_start3A_165 = arith.constant 0 : i32
        %dma_start3A_166 = tpu.memref_slice %arg4[%add3A_113, %dma_start3A_165] : memref<2560x125xi32, #tpu.memory_space<hbm>> -> memref<40x125xi32, #tpu.memory_space<hbm>>
        %dma_start3A_167 = arith.constant 0 : i32
        %dma_start3A_168 = tpu.memref_slice %arg4[%add3A_113, %dma_start3A_167] : memref<2560x125xi32, #tpu.memory_space<hbm>> -> memref<40x125xi32, #tpu.memory_space<hbm>>
        tpu.enqueue_dma source(%dma_start3A_168 : memref<40x125xi32, #tpu.memory_space<hbm>>) target(%arg9 : memref<40x125xi32, #tpu.memory_space<vmem>>) target_semaphore(%run_scoped3A : memref<!tpu.dma_semaphore, #tpu.memory_space<semaphore_mem>>)
        %dma_wait3A_169 = arith.constant 0 : i32
        %dma_wait3A_170 = tpu.memref_slice %arg4[%add3A_113, %dma_wait3A_169] : memref<2560x125xi32, #tpu.memory_space<hbm>> -> memref<40x125xi32, #tpu.memory_space<hbm>>
        %dma_wait3A_171 = arith.constant 0 : i32
        %dma_wait3A_172 = tpu.memref_slice %arg4[%add3A_113, %dma_wait3A_171] : memref<2560x125xi32, #tpu.memory_space<hbm>> -> memref<40x125xi32, #tpu.memory_space<hbm>>
        tpu.wait_dma2 semaphore(%run_scoped3A : memref<!tpu.dma_semaphore, #tpu.memory_space<semaphore_mem>>) src(%dma_wait3A_172 : memref<40x125xi32, #tpu.memory_space<hbm>>) dst(%arg9 : memref<40x125xi32, #tpu.memory_space<vmem>>)
        tpu.yield
      }) : () -> ()
      %dma_start3A_114 = arith.constant 0 : i32
      %dma_start3A_115 = arith.constant 0 : i32
      %dma_start3A_116 = arith.constant 0 : i32
      %dma_start3A_117 = arith.constant 0 : i32
      %dma_start3A_118 = tpu.memref_slice %arg10[%dma_start3A_115, %dma_start3A_116, %dma_start3A_117] : memref<3x125x64xf32, #tpu.memory_space<vmem>> -> memref<1x125x64xf32, #tpu.memory_space<vmem>>
      %dma_start3A_119 = tpu.memref_squeeze %dma_start3A_118 : memref<1x125x64xf32, #tpu.memory_space<vmem>> -> memref<125x64xf32, #tpu.memory_space<vmem>>
      %dma_start3A_120 = arith.constant 0 : i32
      %dma_start3A_121 = tpu.memref_slice %arg8[%dma_start3A_114, %dma_start3A_120] : memref<40x125xi32, #tpu.memory_space<vmem>> -> memref<1x125xi32, #tpu.memory_space<vmem>>
      %dma_start3A_122 = tpu.memref_squeeze %dma_start3A_121 : memref<1x125xi32, #tpu.memory_space<vmem>> -> memref<125xi32, #tpu.memory_space<vmem>>
      %dma_start3A_123 = arith.constant 0 : i32
      %dma_start3A_124 = arith.constant 0 : i32
      %dma_start3A_125 = tpu.memref_slice %arg2[%dma_start3A_123, %dma_start3A_124] : memref<20000x64xf32, #tpu.memory_space<hbm>> -> memref<20000x64xf32, #tpu.memory_space<hbm>>
      tpu.enqueue_indirect_dma source(%dma_start3A_125 : memref<20000x64xf32, #tpu.memory_space<hbm>>) target(%dma_start3A_119 : memref<125x64xf32, #tpu.memory_space<vmem>>) offsets(%dma_start3A_122 : memref<125xi32, #tpu.memory_space<vmem>>) semaphore(%arg15 : memref<!tpu.dma_semaphore, #tpu.memory_space<semaphore_mem>>)
      %dma_start3A_126 = arith.constant 1 : i32
      %dma_start3A_127 = arith.constant 1 : i32
      %dma_start3A_128 = arith.constant 0 : i32
      %dma_start3A_129 = arith.constant 0 : i32
      %dma_start3A_130 = tpu.memref_slice %arg10[%dma_start3A_127, %dma_start3A_128, %dma_start3A_129] : memref<3x125x64xf32, #tpu.memory_space<vmem>> -> memref<1x125x64xf32, #tpu.memory_space<vmem>>
      %dma_start3A_131 = tpu.memref_squeeze %dma_start3A_130 : memref<1x125x64xf32, #tpu.memory_space<vmem>> -> memref<125x64xf32, #tpu.memory_space<vmem>>
      %dma_start3A_132 = arith.constant 0 : i32
      %dma_start3A_133 = tpu.memref_slice %arg8[%dma_start3A_126, %dma_start3A_132] : memref<40x125xi32, #tpu.memory_space<vmem>> -> memref<1x125xi32, #tpu.memory_space<vmem>>
      %dma_start3A_134 = tpu.memref_squeeze %dma_start3A_133 : memref<1x125xi32, #tpu.memory_space<vmem>> -> memref<125xi32, #tpu.memory_space<vmem>>
      %dma_start3A_135 = arith.constant 0 : i32
      %dma_start3A_136 = arith.constant 0 : i32
      %dma_start3A_137 = tpu.memref_slice %arg2[%dma_start3A_135, %dma_start3A_136] : memref<20000x64xf32, #tpu.memory_space<hbm>> -> memref<20000x64xf32, #tpu.memory_space<hbm>>
      tpu.enqueue_indirect_dma source(%dma_start3A_137 : memref<20000x64xf32, #tpu.memory_space<hbm>>) target(%dma_start3A_131 : memref<125x64xf32, #tpu.memory_space<vmem>>) offsets(%dma_start3A_134 : memref<125xi32, #tpu.memory_space<vmem>>) semaphore(%arg15 : memref<!tpu.dma_semaphore, #tpu.memory_space<semaphore_mem>>)
      %scan3A_138 = arith.constant 0 : i32
      %scan3A_139 = arith.constant 0 : i32
      %scan3A_140 = arith.constant 40 : i32
      %scan3A_141 = arith.addi %scan3A_139, %scan3A_140 : i32
      %scan3A_142 = arith.constant 1 : i32
      %scan3A_143 = scf.for %scan3A_165 = %scan3A_139 to %scan3A_141 step %scan3A_142 iter_args(%scan3A_166 = %scan3A_138) -> (i32)  : i32 {
        %rem3A_167 = arith.constant 3 : i32
        %rem3A_168 = arith.remsi %scan3A_165, %rem3A_167 : i32
        %dma_wait3A_169 = arith.constant 0 : i32
        %dma_wait3A_170 = arith.constant 0 : i32
        %dma_wait3A_171 = tpu.memref_slice %arg10[%rem3A_168, %dma_wait3A_169, %dma_wait3A_170] : memref<3x125x64xf32, #tpu.memory_space<vmem>> -> memref<1x125x64xf32, #tpu.memory_space<vmem>>
        %dma_wait3A_172 = tpu.memref_squeeze %dma_wait3A_171 : memref<1x125x64xf32, #tpu.memory_space<vmem>> -> memref<125x64xf32, #tpu.memory_space<vmem>>
        %dma_wait3A_173 = arith.constant 0 : i32
        %dma_wait3A_174 = tpu.memref_slice %arg8[%scan3A_165, %dma_wait3A_173] : memref<40x125xi32, #tpu.memory_space<vmem>> -> memref<1x125xi32, #tpu.memory_space<vmem>>
        %dma_wait3A_175 = tpu.memref_squeeze %dma_wait3A_174 : memref<1x125xi32, #tpu.memory_space<vmem>> -> memref<125xi32, #tpu.memory_space<vmem>>
        %dma_wait3A_176 = arith.constant 0 : i32
        %dma_wait3A_177 = arith.constant 0 : i32
        %dma_wait3A_178 = tpu.memref_slice %arg2[%dma_wait3A_176, %dma_wait3A_177] : memref<20000x64xf32, #tpu.memory_space<hbm>> -> memref<20000x64xf32, #tpu.memory_space<hbm>>
        tpu.wait_indirect_dma semaphore(%arg15 : memref<!tpu.dma_semaphore, #tpu.memory_space<semaphore_mem>>) src(%dma_wait3A_178 : memref<20000x64xf32, #tpu.memory_space<hbm>>) dst(%dma_wait3A_172 : memref<125x64xf32, #tpu.memory_space<vmem>>)
        %ge3A = arith.constant 1 : i32
        %ge3A_179 = arith.cmpi sge, %scan3A_165, %ge3A : i32
        %convert_element_type3A = arith.extui %ge3A_179 : i1 to i32
        %cond3A = arith.constant 0 : i32
        %cond3A_180 = arith.cmpi ne, %convert_element_type3A, %cond3A : i32
        scf.if %cond3A_180 {
          %add3A_204 = arith.constant 2 : i32
          %add3A_205 = arith.addi %scan3A_165, %add3A_204 : i32
          %rem3A_206 = arith.constant 3 : i32
          %rem3A_207 = arith.remsi %add3A_205, %rem3A_206 : i32
          %sub3A = arith.constant 1 : i32
          %sub3A_208 = arith.subi %scan3A_165, %sub3A : i32
          %dma_wait3A_209 = arith.constant 0 : i32
          %dma_wait3A_210 = arith.constant 0 : i32
          %dma_wait3A_211 = tpu.memref_slice %arg10[%rem3A_207, %dma_wait3A_209, %dma_wait3A_210] : memref<3x125x64xf32, #tpu.memory_space<vmem>> -> memref<1x125x64xf32, #tpu.memory_space<vmem>>
          %dma_wait3A_212 = tpu.memref_squeeze %dma_wait3A_211 : memref<1x125x64xf32, #tpu.memory_space<vmem>> -> memref<125x64xf32, #tpu.memory_space<vmem>>
          %dma_wait3A_213 = arith.constant 0 : i32
          %dma_wait3A_214 = tpu.memref_slice %arg9[%sub3A_208, %dma_wait3A_213] : memref<40x125xi32, #tpu.memory_space<vmem>> -> memref<1x125xi32, #tpu.memory_space<vmem>>
          %dma_wait3A_215 = tpu.memref_squeeze %dma_wait3A_214 : memref<1x125xi32, #tpu.memory_space<vmem>> -> memref<125xi32, #tpu.memory_space<vmem>>
          %dma_wait3A_216 = arith.constant 0 : i32
          %dma_wait3A_217 = arith.constant 0 : i32
          %dma_wait3A_218 = tpu.memref_slice %arg13[%dma_wait3A_216, %dma_wait3A_217] : memref<20000x64xf32, #tpu.memory_space<vmem_shared>> -> memref<20000x64xf32, #tpu.memory_space<vmem_shared>>
          tpu.wait_indirect_dma semaphore(%arg16 : memref<!tpu.dma_semaphore, #tpu.memory_space<semaphore_mem>>) src(%dma_wait3A_212 : memref<125x64xf32, #tpu.memory_space<vmem>>) dst(%dma_wait3A_218 : memref<20000x64xf32, #tpu.memory_space<vmem_shared>>)
        } else {
        }
        %add3A_181 = arith.constant 2 : i32
        %add3A_182 = arith.addi %scan3A_165, %add3A_181 : i32
        %lt3A = arith.constant 40 : i32
        %lt3A_183 = arith.cmpi slt, %add3A_182, %lt3A : i32
        %convert_element_type3A_184 = arith.extui %lt3A_183 : i1 to i32
        %cond3A_185 = arith.constant 0 : i32
        %cond3A_186 = arith.cmpi ne, %convert_element_type3A_184, %cond3A_185 : i32
        scf.if %cond3A_186 {
          %add3A_204 = arith.constant 2 : i32
          %add3A_205 = arith.addi %scan3A_165, %add3A_204 : i32
          %add3A_206 = arith.constant 2 : i32
          %add3A_207 = arith.addi %scan3A_165, %add3A_206 : i32
          %rem3A_208 = arith.constant 3 : i32
          %rem3A_209 = arith.remsi %add3A_207, %rem3A_208 : i32
          %dma_start3A_210 = arith.constant 0 : i32
          %dma_start3A_211 = arith.constant 0 : i32
          %dma_start3A_212 = tpu.memref_slice %arg10[%rem3A_209, %dma_start3A_210, %dma_start3A_211] : memref<3x125x64xf32, #tpu.memory_space<vmem>> -> memref<1x125x64xf32, #tpu.memory_space<vmem>>
          %dma_start3A_213 = tpu.memref_squeeze %dma_start3A_212 : memref<1x125x64xf32, #tpu.memory_space<vmem>> -> memref<125x64xf32, #tpu.memory_space<vmem>>
          %dma_start3A_214 = arith.constant 0 : i32
          %dma_start3A_215 = tpu.memref_slice %arg8[%add3A_205, %dma_start3A_214] : memref<40x125xi32, #tpu.memory_space<vmem>> -> memref<1x125xi32, #tpu.memory_space<vmem>>
          %dma_start3A_216 = tpu.memref_squeeze %dma_start3A_215 : memref<1x125xi32, #tpu.memory_space<vmem>> -> memref<125xi32, #tpu.memory_space<vmem>>
          %dma_start3A_217 = arith.constant 0 : i32
          %dma_start3A_218 = arith.constant 0 : i32
          %dma_start3A_219 = tpu.memref_slice %arg2[%dma_start3A_217, %dma_start3A_218] : memref<20000x64xf32, #tpu.memory_space<hbm>> -> memref<20000x64xf32, #tpu.memory_space<hbm>>
          tpu.enqueue_indirect_dma source(%dma_start3A_219 : memref<20000x64xf32, #tpu.memory_space<hbm>>) target(%dma_start3A_213 : memref<125x64xf32, #tpu.memory_space<vmem>>) offsets(%dma_start3A_216 : memref<125xi32, #tpu.memory_space<vmem>>) semaphore(%arg15 : memref<!tpu.dma_semaphore, #tpu.memory_space<semaphore_mem>>)
        } else {
        }
        %dma_start3A_187 = arith.constant 0 : i32
        %dma_start3A_188 = arith.constant 0 : i32
        %dma_start3A_189 = tpu.memref_slice %arg10[%rem3A_168, %dma_start3A_187, %dma_start3A_188] : memref<3x125x64xf32, #tpu.memory_space<vmem>> -> memref<1x125x64xf32, #tpu.memory_space<vmem>>
        %dma_start3A_190 = tpu.memref_squeeze %dma_start3A_189 : memref<1x125x64xf32, #tpu.memory_space<vmem>> -> memref<125x64xf32, #tpu.memory_space<vmem>>
        %dma_start3A_191 = arith.constant 0 : i32
        %dma_start3A_192 = tpu.memref_slice %arg9[%scan3A_165, %dma_start3A_191] : memref<40x125xi32, #tpu.memory_space<vmem>> -> memref<1x125xi32, #tpu.memory_space<vmem>>
        %dma_start3A_193 = tpu.memref_squeeze %dma_start3A_192 : memref<1x125xi32, #tpu.memory_space<vmem>> -> memref<125xi32, #tpu.memory_space<vmem>>
        %dma_start3A_194 = arith.constant 0 : i32
        %dma_start3A_195 = arith.constant 0 : i32
        %dma_start3A_196 = tpu.memref_slice %arg13[%dma_start3A_194, %dma_start3A_195] : memref<20000x64xf32, #tpu.memory_space<vmem_shared>> -> memref<20000x64xf32, #tpu.memory_space<vmem_shared>>
        tpu.enqueue_indirect_dma source(%dma_start3A_190 : memref<125x64xf32, #tpu.memory_space<vmem>>) target(%dma_start3A_196 : memref<20000x64xf32, #tpu.memory_space<vmem_shared>>) offsets(%dma_start3A_193 : memref<125xi32, #tpu.memory_space<vmem>>) semaphore(%arg16 : memref<!tpu.dma_semaphore, #tpu.memory_space<semaphore_mem>>) {add = true}
        %dma_start3A_197 = arith.constant 0 : i32
        %dma_start3A_198 = tpu.memref_slice %arg9[%scan3A_165, %dma_start3A_197] : memref<40x125xi32, #tpu.memory_space<vmem>> -> memref<1x125xi32, #tpu.memory_space<vmem>>
        %dma_start3A_199 = tpu.memref_squeeze %dma_start3A_198 : memref<1x125xi32, #tpu.memory_space<vmem>> -> memref<125xi32, #tpu.memory_space<vmem>>
        %dma_start3A_200 = arith.constant 0 : i32
        %dma_start3A_201 = arith.constant 0 : i32
        %dma_start3A_202 = tpu.memref_slice %arg14[%dma_start3A_200, %dma_start3A_201] : memref<20000x8xf32, #tpu.memory_space<vmem_shared>> -> memref<20000x8xf32, #tpu.memory_space<vmem_shared>>
        tpu.enqueue_indirect_dma source(%arg11 : memref<125x8xf32, #tpu.memory_space<vmem>>) target(%dma_start3A_202 : memref<20000x8xf32, #tpu.memory_space<vmem_shared>>) offsets(%dma_start3A_199 : memref<125xi32, #tpu.memory_space<vmem>>) semaphore(%arg18 : memref<!tpu.dma_semaphore, #tpu.memory_space<semaphore_mem>>) {add = true}
        %scan3A_203 = arith.constant 0 : i32
        scf.yield %scan3A_203 : i32
      }
      %scan3A_144 = arith.constant 40 : i32
      %dma_wait3A_145 = arith.constant 0 : i32
      %dma_wait3A_146 = arith.constant 39 : i32
      %dma_wait3A_147 = arith.constant 0 : i32
      %dma_wait3A_148 = arith.constant 0 : i32
      %dma_wait3A_149 = tpu.memref_slice %arg10[%dma_wait3A_145, %dma_wait3A_147, %dma_wait3A_148] : memref<3x125x64xf32, #tpu.memory_space<vmem>> -> memref<1x125x64xf32, #tpu.memory_space<vmem>>
      %dma_wait3A_150 = tpu.memref_squeeze %dma_wait3A_149 : memref<1x125x64xf32, #tpu.memory_space<vmem>> -> memref<125x64xf32, #tpu.memory_space<vmem>>
      %dma_wait3A_151 = arith.constant 0 : i32
      %dma_wait3A_152 = tpu.memref_slice %arg9[%dma_wait3A_146, %dma_wait3A_151] : memref<40x125xi32, #tpu.memory_space<vmem>> -> memref<1x125xi32, #tpu.memory_space<vmem>>
      %dma_wait3A_153 = tpu.memref_squeeze %dma_wait3A_152 : memref<1x125xi32, #tpu.memory_space<vmem>> -> memref<125xi32, #tpu.memory_space<vmem>>
      %dma_wait3A_154 = arith.constant 0 : i32
      %dma_wait3A_155 = arith.constant 0 : i32
      %dma_wait3A_156 = tpu.memref_slice %arg13[%dma_wait3A_154, %dma_wait3A_155] : memref<20000x64xf32, #tpu.memory_space<vmem_shared>> -> memref<20000x64xf32, #tpu.memory_space<vmem_shared>>
      tpu.wait_indirect_dma semaphore(%arg16 : memref<!tpu.dma_semaphore, #tpu.memory_space<semaphore_mem>>) src(%dma_wait3A_150 : memref<125x64xf32, #tpu.memory_space<vmem>>) dst(%dma_wait3A_156 : memref<20000x64xf32, #tpu.memory_space<vmem_shared>>)
      %scan3A_157 = arith.constant 0 : i32
      %scan3A_158 = arith.constant 0 : i32
      %scan3A_159 = arith.constant 40 : i32
      %scan3A_160 = arith.addi %scan3A_158, %scan3A_159 : i32
      %scan3A_161 = arith.constant 1 : i32
      %scan3A_162 = scf.for %scan3A_165 = %scan3A_158 to %scan3A_160 step %scan3A_161 iter_args(%scan3A_166 = %scan3A_157) -> (i32)  : i32 {
        %dma_wait3A_167 = arith.constant 0 : i32
        %dma_wait3A_168 = arith.constant 0 : i32
        %dma_wait3A_169 = tpu.memref_slice %arg9[%dma_wait3A_167, %dma_wait3A_168] : memref<40x125xi32, #tpu.memory_space<vmem>> -> memref<1x125xi32, #tpu.memory_space<vmem>>
        %dma_wait3A_170 = tpu.memref_squeeze %dma_wait3A_169 : memref<1x125xi32, #tpu.memory_space<vmem>> -> memref<125xi32, #tpu.memory_space<vmem>>
        %dma_wait3A_171 = arith.constant 0 : i32
        %dma_wait3A_172 = arith.constant 0 : i32
        %dma_wait3A_173 = tpu.memref_slice %arg14[%dma_wait3A_171, %dma_wait3A_172] : memref<20000x8xf32, #tpu.memory_space<vmem_shared>> -> memref<20000x8xf32, #tpu.memory_space<vmem_shared>>
        tpu.wait_indirect_dma semaphore(%arg18 : memref<!tpu.dma_semaphore, #tpu.memory_space<semaphore_mem>>) src(%arg11 : memref<125x8xf32, #tpu.memory_space<vmem>>) dst(%dma_wait3A_173 : memref<20000x8xf32, #tpu.memory_space<vmem_shared>>)
        %scan3A_174 = arith.constant 0 : i32
        scf.yield %scan3A_174 : i32
      }
      %scan3A_163 = arith.constant 40 : i32
      %scan3A_164 = arith.constant 0 : i32
      scf.yield %scan3A_164 : i32
    }
    %scan3A_22 = arith.constant 4 : i32
    %barrier3A_23 = arith.constant 0 : index
    tpu.barrier barrier_id(%barrier3A_23)
    %add3A = arith.constant 0 : i32
    %add3A_24 = arith.addi %mul3A_0, %add3A : i32
    %dma_start3A = arith.constant 0 : i32
    %dma_start3A_25 = arith.constant 0 : i32
    %dma_start3A_26 = arith.constant 0 : i32
    %dma_start3A_27 = tpu.memref_slice %arg10[%dma_start3A, %dma_start3A_25, %dma_start3A_26] : memref<3x125x64xf32, #tpu.memory_space<vmem>> -> memref<1x125x64xf32, #tpu.memory_space<vmem>>
    %dma_start3A_28 = tpu.memref_squeeze %dma_start3A_27 : memref<1x125x64xf32, #tpu.memory_space<vmem>> -> memref<125x64xf32, #tpu.memory_space<vmem>>
    %dma_start3A_29 = arith.constant 0 : i32
    %dma_start3A_30 = arith.constant 0 : i32
    %dma_start3A_31 = tpu.memref_slice %dma_start3A_28[%dma_start3A_29, %dma_start3A_30] : memref<125x64xf32, #tpu.memory_space<vmem>> -> memref<125x64xf32, #tpu.memory_space<vmem>>
    %dma_start3A_32 = arith.constant 0 : i32
    %dma_start3A_33 = tpu.memref_slice %arg13[%add3A_24, %dma_start3A_32] : memref<20000x64xf32, #tpu.memory_space<vmem_shared>> -> memref<125x64xf32, #tpu.memory_space<vmem_shared>>
    %dma_start3A_34 = arith.constant 0 : i32
    %dma_start3A_35 = arith.constant 0 : i32
    %dma_start3A_36 = tpu.memref_slice %arg10[%dma_start3A, %dma_start3A_34, %dma_start3A_35] : memref<3x125x64xf32, #tpu.memory_space<vmem>> -> memref<1x125x64xf32, #tpu.memory_space<vmem>>
    %dma_start3A_37 = tpu.memref_squeeze %dma_start3A_36 : memref<1x125x64xf32, #tpu.memory_space<vmem>> -> memref<125x64xf32, #tpu.memory_space<vmem>>
    %dma_start3A_38 = arith.constant 0 : i32
    %dma_start3A_39 = arith.constant 0 : i32
    %dma_start3A_40 = tpu.memref_slice %dma_start3A_37[%dma_start3A_38, %dma_start3A_39] : memref<125x64xf32, #tpu.memory_space<vmem>> -> memref<125x64xf32, #tpu.memory_space<vmem>>
    %dma_start3A_41 = arith.constant 0 : i32
    %dma_start3A_42 = tpu.memref_slice %arg13[%add3A_24, %dma_start3A_41] : memref<20000x64xf32, #tpu.memory_space<vmem_shared>> -> memref<125x64xf32, #tpu.memory_space<vmem_shared>>
    tpu.enqueue_dma source(%dma_start3A_42 : memref<125x64xf32, #tpu.memory_space<vmem_shared>>) target(%dma_start3A_40 : memref<125x64xf32, #tpu.memory_space<vmem>>) target_semaphore(%arg15 : memref<!tpu.dma_semaphore, #tpu.memory_space<semaphore_mem>>)
    %dma_start3A_43 = arith.constant 0 : i32
    %dma_start3A_44 = arith.constant 0 : i32
    %dma_start3A_45 = tpu.memref_slice %arg12[%dma_start3A_43, %dma_start3A_44] : memref<250x8xf32, #tpu.memory_space<vmem>> -> memref<125x8xf32, #tpu.memory_space<vmem>>
    %dma_start3A_46 = arith.constant 0 : i32
    %dma_start3A_47 = tpu.memref_slice %arg14[%add3A_24, %dma_start3A_46] : memref<20000x8xf32, #tpu.memory_space<vmem_shared>> -> memref<125x8xf32, #tpu.memory_space<vmem_shared>>
    %dma_start3A_48 = arith.constant 0 : i32
    %dma_start3A_49 = arith.constant 0 : i32
    %dma_start3A_50 = tpu.memref_slice %arg12[%dma_start3A_48, %dma_start3A_49] : memref<250x8xf32, #tpu.memory_space<vmem>> -> memref<125x8xf32, #tpu.memory_space<vmem>>
    %dma_start3A_51 = arith.constant 0 : i32
    %dma_start3A_52 = tpu.memref_slice %arg14[%add3A_24, %dma_start3A_51] : memref<20000x8xf32, #tpu.memory_space<vmem_shared>> -> memref<125x8xf32, #tpu.memory_space<vmem_shared>>
    tpu.enqueue_dma source(%dma_start3A_52 : memref<125x8xf32, #tpu.memory_space<vmem_shared>>) target(%dma_start3A_50 : memref<125x8xf32, #tpu.memory_space<vmem>>) target_semaphore(%arg15 : memref<!tpu.dma_semaphore, #tpu.memory_space<semaphore_mem>>)
    %scan3A_53 = arith.constant 0 : i32
    %scan3A_54 = arith.constant 0 : i32
    %scan3A_55 = arith.constant 10 : i32
    %scan3A_56 = arith.addi %scan3A_54, %scan3A_55 : i32
    %scan3A_57 = arith.constant 1 : i32
    %scan3A_58 = scf.for %scan3A_107 = %scan3A_54 to %scan3A_56 step %scan3A_57 iter_args(%scan3A_108 = %scan3A_53) -> (i32)  : i32 {
      %mul3A_109 = arith.constant 125 : i32
      %mul3A_110 = arith.muli %scan3A_107, %mul3A_109 : i32
      %add3A_111 = arith.addi %mul3A_0, %mul3A_110 : i32
      %rem3A_112 = arith.constant 2 : i32
      %rem3A_113 = arith.remsi %scan3A_107, %rem3A_112 : i32
      %sub3A = arith.constant 1 : i32
      %sub3A_114 = arith.subi %sub3A, %rem3A_113 : i32
      %mul3A_115 = arith.constant 125 : i32
      %mul3A_116 = arith.muli %scan3A_107, %mul3A_115 : i32
      %add3A_117 = arith.addi %mul3A_0, %mul3A_116 : i32
      %dma_wait3A_118 = arith.constant 0 : i32
      %dma_wait3A_119 = arith.constant 0 : i32
      %dma_wait3A_120 = tpu.memref_slice %arg10[%rem3A_113, %dma_wait3A_118, %dma_wait3A_119] : memref<3x125x64xf32, #tpu.memory_space<vmem>> -> memref<1x125x64xf32, #tpu.memory_space<vmem>>
      %dma_wait3A_121 = tpu.memref_squeeze %dma_wait3A_120 : memref<1x125x64xf32, #tpu.memory_space<vmem>> -> memref<125x64xf32, #tpu.memory_space<vmem>>
      %dma_wait3A_122 = arith.constant 0 : i32
      %dma_wait3A_123 = arith.constant 0 : i32
      %dma_wait3A_124 = tpu.memref_slice %dma_wait3A_121[%dma_wait3A_122, %dma_wait3A_123] : memref<125x64xf32, #tpu.memory_space<vmem>> -> memref<125x64xf32, #tpu.memory_space<vmem>>
      %dma_wait3A_125 = arith.constant 0 : i32
      %dma_wait3A_126 = tpu.memref_slice %arg13[%add3A_117, %dma_wait3A_125] : memref<20000x64xf32, #tpu.memory_space<vmem_shared>> -> memref<125x64xf32, #tpu.memory_space<vmem_shared>>
      %dma_wait3A_127 = arith.constant 0 : i32
      %dma_wait3A_128 = arith.constant 0 : i32
      %dma_wait3A_129 = tpu.memref_slice %arg10[%rem3A_113, %dma_wait3A_127, %dma_wait3A_128] : memref<3x125x64xf32, #tpu.memory_space<vmem>> -> memref<1x125x64xf32, #tpu.memory_space<vmem>>
      %dma_wait3A_130 = tpu.memref_squeeze %dma_wait3A_129 : memref<1x125x64xf32, #tpu.memory_space<vmem>> -> memref<125x64xf32, #tpu.memory_space<vmem>>
      %dma_wait3A_131 = arith.constant 0 : i32
      %dma_wait3A_132 = arith.constant 0 : i32
      %dma_wait3A_133 = tpu.memref_slice %dma_wait3A_130[%dma_wait3A_131, %dma_wait3A_132] : memref<125x64xf32, #tpu.memory_space<vmem>> -> memref<125x64xf32, #tpu.memory_space<vmem>>
      %dma_wait3A_134 = arith.constant 0 : i32
      %dma_wait3A_135 = tpu.memref_slice %arg13[%add3A_117, %dma_wait3A_134] : memref<20000x64xf32, #tpu.memory_space<vmem_shared>> -> memref<125x64xf32, #tpu.memory_space<vmem_shared>>
      tpu.wait_dma2 semaphore(%arg15 : memref<!tpu.dma_semaphore, #tpu.memory_space<semaphore_mem>>) src(%dma_wait3A_135 : memref<125x64xf32, #tpu.memory_space<vmem_shared>>) dst(%dma_wait3A_133 : memref<125x64xf32, #tpu.memory_space<vmem>>)
      %mul3A_136 = arith.constant 125 : i32
      %mul3A_137 = arith.muli %rem3A_113, %mul3A_136 : i32
      %dma_wait3A_138 = arith.constant 0 : i32
      %dma_wait3A_139 = tpu.memref_slice %arg12[%mul3A_137, %dma_wait3A_138] : memref<250x8xf32, #tpu.memory_space<vmem>> -> memref<125x8xf32, #tpu.memory_space<vmem>>
      %dma_wait3A_140 = arith.constant 0 : i32
      %dma_wait3A_141 = tpu.memref_slice %arg14[%add3A_117, %dma_wait3A_140] : memref<20000x8xf32, #tpu.memory_space<vmem_shared>> -> memref<125x8xf32, #tpu.memory_space<vmem_shared>>
      %dma_wait3A_142 = arith.constant 0 : i32
      %dma_wait3A_143 = tpu.memref_slice %arg12[%mul3A_137, %dma_wait3A_142] : memref<250x8xf32, #tpu.memory_space<vmem>> -> memref<125x8xf32, #tpu.memory_space<vmem>>
      %dma_wait3A_144 = arith.constant 0 : i32
      %dma_wait3A_145 = tpu.memref_slice %arg14[%add3A_117, %dma_wait3A_144] : memref<20000x8xf32, #tpu.memory_space<vmem_shared>> -> memref<125x8xf32, #tpu.memory_space<vmem_shared>>
      tpu.wait_dma2 semaphore(%arg15 : memref<!tpu.dma_semaphore, #tpu.memory_space<semaphore_mem>>) src(%dma_wait3A_145 : memref<125x8xf32, #tpu.memory_space<vmem_shared>>) dst(%dma_wait3A_143 : memref<125x8xf32, #tpu.memory_space<vmem>>)
      %ge3A = arith.constant 1 : i32
      %ge3A_146 = arith.cmpi sge, %scan3A_107, %ge3A : i32
      %convert_element_type3A = arith.extui %ge3A_146 : i1 to i32
      %cond3A = arith.constant 0 : i32
      %cond3A_147 = arith.cmpi ne, %convert_element_type3A, %cond3A : i32
      scf.if %cond3A_147 {
        %sub3A_198 = arith.constant 1 : i32
        %sub3A_199 = arith.subi %scan3A_107, %sub3A_198 : i32
        %mul3A_200 = arith.constant 125 : i32
        %mul3A_201 = arith.muli %sub3A_199, %mul3A_200 : i32
        %add3A_202 = arith.addi %mul3A_0, %mul3A_201 : i32
        %dma_wait3A_203 = arith.constant 0 : i32
        %dma_wait3A_204 = arith.constant 0 : i32
        %dma_wait3A_205 = tpu.memref_slice %arg10[%sub3A_114, %dma_wait3A_203, %dma_wait3A_204] : memref<3x125x64xf32, #tpu.memory_space<vmem>> -> memref<1x125x64xf32, #tpu.memory_space<vmem>>
        %dma_wait3A_206 = tpu.memref_squeeze %dma_wait3A_205 : memref<1x125x64xf32, #tpu.memory_space<vmem>> -> memref<125x64xf32, #tpu.memory_space<vmem>>
        %dma_wait3A_207 = arith.constant 0 : i32
        %dma_wait3A_208 = arith.constant 0 : i32
        %dma_wait3A_209 = tpu.memref_slice %dma_wait3A_206[%dma_wait3A_207, %dma_wait3A_208] : memref<125x64xf32, #tpu.memory_space<vmem>> -> memref<125x64xf32, #tpu.memory_space<vmem>>
        %dma_wait3A_210 = arith.constant 0 : i32
        %dma_wait3A_211 = tpu.memref_slice %arg13[%add3A_202, %dma_wait3A_210] : memref<20000x64xf32, #tpu.memory_space<vmem_shared>> -> memref<125x64xf32, #tpu.memory_space<vmem_shared>>
        %dma_wait3A_212 = arith.constant 0 : i32
        %dma_wait3A_213 = tpu.memref_slice %arg13[%add3A_202, %dma_wait3A_212] : memref<20000x64xf32, #tpu.memory_space<vmem_shared>> -> memref<125x64xf32, #tpu.memory_space<vmem_shared>>
        %dma_wait3A_214 = arith.constant 0 : i32
        %dma_wait3A_215 = arith.constant 0 : i32
        %dma_wait3A_216 = tpu.memref_slice %arg10[%sub3A_114, %dma_wait3A_214, %dma_wait3A_215] : memref<3x125x64xf32, #tpu.memory_space<vmem>> -> memref<1x125x64xf32, #tpu.memory_space<vmem>>
        %dma_wait3A_217 = tpu.memref_squeeze %dma_wait3A_216 : memref<1x125x64xf32, #tpu.memory_space<vmem>> -> memref<125x64xf32, #tpu.memory_space<vmem>>
        %dma_wait3A_218 = arith.constant 0 : i32
        %dma_wait3A_219 = arith.constant 0 : i32
        %dma_wait3A_220 = tpu.memref_slice %dma_wait3A_217[%dma_wait3A_218, %dma_wait3A_219] : memref<125x64xf32, #tpu.memory_space<vmem>> -> memref<125x64xf32, #tpu.memory_space<vmem>>
        tpu.wait_dma2 semaphore(%arg16 : memref<!tpu.dma_semaphore, #tpu.memory_space<semaphore_mem>>) src(%dma_wait3A_220 : memref<125x64xf32, #tpu.memory_space<vmem>>) dst(%dma_wait3A_213 : memref<125x64xf32, #tpu.memory_space<vmem_shared>>)
        %mul3A_221 = arith.constant 64 : i32
        %mul3A_222 = arith.muli %arg0, %mul3A_221 : i32
        %dma_wait3A_223 = arith.constant 0 : i32
        %dma_wait3A_224 = arith.constant 0 : i32
        %dma_wait3A_225 = tpu.memref_slice %arg10[%sub3A_114, %dma_wait3A_223, %dma_wait3A_224] : memref<3x125x64xf32, #tpu.memory_space<vmem>> -> memref<1x125x64xf32, #tpu.memory_space<vmem>>
        %dma_wait3A_226 = tpu.memref_squeeze %dma_wait3A_225 : memref<1x125x64xf32, #tpu.memory_space<vmem>> -> memref<125x64xf32, #tpu.memory_space<vmem>>
        %dma_wait3A_227 = arith.constant 0 : i32
        %dma_wait3A_228 = arith.constant 0 : i32
        %dma_wait3A_229 = tpu.memref_slice %dma_wait3A_226[%dma_wait3A_227, %dma_wait3A_228] : memref<125x64xf32, #tpu.memory_space<vmem>> -> memref<125x64xf32, #tpu.memory_space<vmem>>
        %dma_wait3A_230 = tpu.memref_slice %arg7[%add3A_202, %mul3A_222] : memref<20000x128xf32, #tpu.memory_space<hbm>> -> memref<125x64xf32, #tpu.memory_space<hbm>>
        %dma_wait3A_231 = tpu.memref_slice %arg7[%add3A_202, %mul3A_222] : memref<20000x128xf32, #tpu.memory_space<hbm>> -> memref<125x64xf32, #tpu.memory_space<hbm>>
        %dma_wait3A_232 = arith.constant 0 : i32
        %dma_wait3A_233 = arith.constant 0 : i32
        %dma_wait3A_234 = tpu.memref_slice %arg10[%sub3A_114, %dma_wait3A_232, %dma_wait3A_233] : memref<3x125x64xf32, #tpu.memory_space<vmem>> -> memref<1x125x64xf32, #tpu.memory_space<vmem>>
        %dma_wait3A_235 = tpu.memref_squeeze %dma_wait3A_234 : memref<1x125x64xf32, #tpu.memory_space<vmem>> -> memref<125x64xf32, #tpu.memory_space<vmem>>
        %dma_wait3A_236 = arith.constant 0 : i32
        %dma_wait3A_237 = arith.constant 0 : i32
        %dma_wait3A_238 = tpu.memref_slice %dma_wait3A_235[%dma_wait3A_236, %dma_wait3A_237] : memref<125x64xf32, #tpu.memory_space<vmem>> -> memref<125x64xf32, #tpu.memory_space<vmem>>
        tpu.wait_dma2 semaphore(%arg17 : memref<!tpu.dma_semaphore, #tpu.memory_space<semaphore_mem>>) src(%dma_wait3A_238 : memref<125x64xf32, #tpu.memory_space<vmem>>) dst(%dma_wait3A_231 : memref<125x64xf32, #tpu.memory_space<hbm>>)
      } else {
      }
      %add3A_148 = arith.constant 1 : i32
      %add3A_149 = arith.addi %scan3A_107, %add3A_148 : i32
      %lt3A = arith.constant 10 : i32
      %lt3A_150 = arith.cmpi slt, %add3A_149, %lt3A : i32
      %convert_element_type3A_151 = arith.extui %lt3A_150 : i1 to i32
      %cond3A_152 = arith.constant 0 : i32
      %cond3A_153 = arith.cmpi ne, %convert_element_type3A_151, %cond3A_152 : i32
      scf.if %cond3A_153 {
        %add3A_198 = arith.constant 1 : i32
        %add3A_199 = arith.addi %scan3A_107, %add3A_198 : i32
        %mul3A_200 = arith.constant 125 : i32
        %mul3A_201 = arith.muli %add3A_199, %mul3A_200 : i32
        %add3A_202 = arith.addi %mul3A_0, %mul3A_201 : i32
        %dma_start3A_203 = arith.constant 0 : i32
        %dma_start3A_204 = arith.constant 0 : i32
        %dma_start3A_205 = tpu.memref_slice %arg10[%sub3A_114, %dma_start3A_203, %dma_start3A_204] : memref<3x125x64xf32, #tpu.memory_space<vmem>> -> memref<1x125x64xf32, #tpu.memory_space<vmem>>
        %dma_start3A_206 = tpu.memref_squeeze %dma_start3A_205 : memref<1x125x64xf32, #tpu.memory_space<vmem>> -> memref<125x64xf32, #tpu.memory_space<vmem>>
        %dma_start3A_207 = arith.constant 0 : i32
        %dma_start3A_208 = arith.constant 0 : i32
        %dma_start3A_209 = tpu.memref_slice %dma_start3A_206[%dma_start3A_207, %dma_start3A_208] : memref<125x64xf32, #tpu.memory_space<vmem>> -> memref<125x64xf32, #tpu.memory_space<vmem>>
        %dma_start3A_210 = arith.constant 0 : i32
        %dma_start3A_211 = tpu.memref_slice %arg13[%add3A_202, %dma_start3A_210] : memref<20000x64xf32, #tpu.memory_space<vmem_shared>> -> memref<125x64xf32, #tpu.memory_space<vmem_shared>>
        %dma_start3A_212 = arith.constant 0 : i32
        %dma_start3A_213 = arith.constant 0 : i32
        %dma_start3A_214 = tpu.memref_slice %arg10[%sub3A_114, %dma_start3A_212, %dma_start3A_213] : memref<3x125x64xf32, #tpu.memory_space<vmem>> -> memref<1x125x64xf32, #tpu.memory_space<vmem>>
        %dma_start3A_215 = tpu.memref_squeeze %dma_start3A_214 : memref<1x125x64xf32, #tpu.memory_space<vmem>> -> memref<125x64xf32, #tpu.memory_space<vmem>>
        %dma_start3A_216 = arith.constant 0 : i32
        %dma_start3A_217 = arith.constant 0 : i32
        %dma_start3A_218 = tpu.memref_slice %dma_start3A_215[%dma_start3A_216, %dma_start3A_217] : memref<125x64xf32, #tpu.memory_space<vmem>> -> memref<125x64xf32, #tpu.memory_space<vmem>>
        %dma_start3A_219 = arith.constant 0 : i32
        %dma_start3A_220 = tpu.memref_slice %arg13[%add3A_202, %dma_start3A_219] : memref<20000x64xf32, #tpu.memory_space<vmem_shared>> -> memref<125x64xf32, #tpu.memory_space<vmem_shared>>
        tpu.enqueue_dma source(%dma_start3A_220 : memref<125x64xf32, #tpu.memory_space<vmem_shared>>) target(%dma_start3A_218 : memref<125x64xf32, #tpu.memory_space<vmem>>) target_semaphore(%arg15 : memref<!tpu.dma_semaphore, #tpu.memory_space<semaphore_mem>>)
        %mul3A_221 = arith.constant 125 : i32
        %mul3A_222 = arith.muli %sub3A_114, %mul3A_221 : i32
        %dma_start3A_223 = arith.constant 0 : i32
        %dma_start3A_224 = tpu.memref_slice %arg12[%mul3A_222, %dma_start3A_223] : memref<250x8xf32, #tpu.memory_space<vmem>> -> memref<125x8xf32, #tpu.memory_space<vmem>>
        %dma_start3A_225 = arith.constant 0 : i32
        %dma_start3A_226 = tpu.memref_slice %arg14[%add3A_202, %dma_start3A_225] : memref<20000x8xf32, #tpu.memory_space<vmem_shared>> -> memref<125x8xf32, #tpu.memory_space<vmem_shared>>
        %dma_start3A_227 = arith.constant 0 : i32
        %dma_start3A_228 = tpu.memref_slice %arg12[%mul3A_222, %dma_start3A_227] : memref<250x8xf32, #tpu.memory_space<vmem>> -> memref<125x8xf32, #tpu.memory_space<vmem>>
        %dma_start3A_229 = arith.constant 0 : i32
        %dma_start3A_230 = tpu.memref_slice %arg14[%add3A_202, %dma_start3A_229] : memref<20000x8xf32, #tpu.memory_space<vmem_shared>> -> memref<125x8xf32, #tpu.memory_space<vmem_shared>>
        tpu.enqueue_dma source(%dma_start3A_230 : memref<125x8xf32, #tpu.memory_space<vmem_shared>>) target(%dma_start3A_228 : memref<125x8xf32, #tpu.memory_space<vmem>>) target_semaphore(%arg15 : memref<!tpu.dma_semaphore, #tpu.memory_space<semaphore_mem>>)
      } else {
      }
      %scan3A_154 = arith.constant 0 : i32
      %scan3A_155 = arith.constant 0 : i32
      %scan3A_156 = arith.constant 125 : i32
      %scan3A_157 = arith.addi %scan3A_155, %scan3A_156 : i32
      %scan3A_158 = arith.constant 1 : i32
      %scan3A_159 = scf.for %scan3A_198 = %scan3A_155 to %scan3A_157 step %scan3A_158 iter_args(%scan3A_199 = %scan3A_154) -> (i32)  : i32 {
        %mul3A_200 = arith.constant 125 : i32
        %mul3A_201 = arith.muli %rem3A_113, %mul3A_200 : i32
        %add3A_202 = arith.addi %mul3A_201, %scan3A_198 : i32
        %broadcast_in_dim3A = vector.broadcast %add3A_202 : i32 to vector<16xi32>
        %broadcast_in_dim3A_203 = arith.constant 0 : i32
        %broadcast_in_dim3A_204 = vector.broadcast %broadcast_in_dim3A_203 : i32 to vector<16xi32>
        %gather3A = tpu.vector_load_idx %arg12[%broadcast_in_dim3A, %broadcast_in_dim3A_204] : memref<250x8xf32, #tpu.memory_space<vmem>>[vector<16xi32>, vector<16xi32>], vector<16xf32>,
        %div3A = arith.constant 1.000000e+00 : f32
        %div3A_205 = vector.broadcast %div3A : f32 to vector<16xf32>
        %div3A_206 = arith.divf %div3A_205, %gather3A : vector<16xf32>
        %get3A = arith.index_cast %rem3A_113 : i32 to index
        %get3A_207 = arith.index_cast %scan3A_198 : i32 to index
        %get3A_208 = arith.constant 0 : index
        %get3A_209 = tpu.vector_load %arg10[%get3A, %get3A_207, %get3A_208] {strides = array<i32>} : memref<3x125x64xf32, #tpu.memory_space<vmem>>, vector<16xf32>,
        %mul3A_210 = arith.mulf %get3A_209, %div3A_206 : vector<16xf32>
        %swap3A = arith.index_cast %rem3A_113 : i32 to index
        %swap3A_211 = arith.index_cast %scan3A_198 : i32 to index
        %swap3A_212 = arith.constant 0 : index
        %swap3A_213 = tpu.vector_load %arg10[%swap3A, %swap3A_211, %swap3A_212] {strides = array<i32>} : memref<3x125x64xf32, #tpu.memory_space<vmem>>, vector<16xf32>,
        tpu.vector_store %arg10[%swap3A, %swap3A_211, %swap3A_212], %mul3A_210 {strides = array<i32>} : memref<3x125x64xf32, #tpu.memory_space<vmem>>, vector<16xf32>,
        %get3A_214 = arith.index_cast %rem3A_113 : i32 to index
        %get3A_215 = arith.index_cast %scan3A_198 : i32 to index
        %get3A_216 = arith.constant 16 : index
        %get3A_217 = tpu.vector_load %arg10[%get3A_214, %get3A_215, %get3A_216] {strides = array<i32>} : memref<3x125x64xf32, #tpu.memory_space<vmem>>, vector<16xf32>,
        %mul3A_218 = arith.mulf %get3A_217, %div3A_206 : vector<16xf32>
        %swap3A_219 = arith.index_cast %rem3A_113 : i32 to index
        %swap3A_220 = arith.index_cast %scan3A_198 : i32 to index
        %swap3A_221 = arith.constant 16 : index
        %swap3A_222 = tpu.vector_load %arg10[%swap3A_219, %swap3A_220, %swap3A_221] {strides = array<i32>} : memref<3x125x64xf32, #tpu.memory_space<vmem>>, vector<16xf32>,
        tpu.vector_store %arg10[%swap3A_219, %swap3A_220, %swap3A_221], %mul3A_218 {strides = array<i32>} : memref<3x125x64xf32, #tpu.memory_space<vmem>>, vector<16xf32>,
        %get3A_223 = arith.index_cast %rem3A_113 : i32 to index
        %get3A_224 = arith.index_cast %scan3A_198 : i32 to index
        %get3A_225 = arith.constant 32 : index
        %get3A_226 = tpu.vector_load %arg10[%get3A_223, %get3A_224, %get3A_225] {strides = array<i32>} : memref<3x125x64xf32, #tpu.memory_space<vmem>>, vector<16xf32>,
        %mul3A_227 = arith.mulf %get3A_226, %div3A_206 : vector<16xf32>
        %swap3A_228 = arith.index_cast %rem3A_113 : i32 to index
        %swap3A_229 = arith.index_cast %scan3A_198 : i32 to index
        %swap3A_230 = arith.constant 32 : index
        %swap3A_231 = tpu.vector_load %arg10[%swap3A_228, %swap3A_229, %swap3A_230] {strides = array<i32>} : memref<3x125x64xf32, #tpu.memory_space<vmem>>, vector<16xf32>,
        tpu.vector_store %arg10[%swap3A_228, %swap3A_229, %swap3A_230], %mul3A_227 {strides = array<i32>} : memref<3x125x64xf32, #tpu.memory_space<vmem>>, vector<16xf32>,
        %get3A_232 = arith.index_cast %rem3A_113 : i32 to index
        %get3A_233 = arith.index_cast %scan3A_198 : i32 to index
        %get3A_234 = arith.constant 48 : index
        %get3A_235 = tpu.vector_load %arg10[%get3A_232, %get3A_233, %get3A_234] {strides = array<i32>} : memref<3x125x64xf32, #tpu.memory_space<vmem>>, vector<16xf32>,
        %mul3A_236 = arith.mulf %get3A_235, %div3A_206 : vector<16xf32>
        %swap3A_237 = arith.index_cast %rem3A_113 : i32 to index
        %swap3A_238 = arith.index_cast %scan3A_198 : i32 to index
        %swap3A_239 = arith.constant 48 : index
        %swap3A_240 = tpu.vector_load %arg10[%swap3A_237, %swap3A_238, %swap3A_239] {strides = array<i32>} : memref<3x125x64xf32, #tpu.memory_space<vmem>>, vector<16xf32>,
        tpu.vector_store %arg10[%swap3A_237, %swap3A_238, %swap3A_239], %mul3A_236 {strides = array<i32>} : memref<3x125x64xf32, #tpu.memory_space<vmem>>, vector<16xf32>,
        %scan3A_241 = arith.constant 0 : i32
        scf.yield %scan3A_241 : i32
      }
      %scan3A_160 = arith.constant 125 : i32
      %dma_start3A_161 = arith.constant 0 : i32
      %dma_start3A_162 = arith.constant 0 : i32
      %dma_start3A_163 = tpu.memref_slice %arg10[%rem3A_113, %dma_start3A_161, %dma_start3A_162] : memref<3x125x64xf32, #tpu.memory_space<vmem>> -> memref<1x125x64xf32, #tpu.memory_space<vmem>>
      %dma_start3A_164 = tpu.memref_squeeze %dma_start3A_163 : memref<1x125x64xf32, #tpu.memory_space<vmem>> -> memref<125x64xf32, #tpu.memory_space<vmem>>
      %dma_start3A_165 = arith.constant 0 : i32
      %dma_start3A_166 = arith.constant 0 : i32
      %dma_start3A_167 = tpu.memref_slice %dma_start3A_164[%dma_start3A_165, %dma_start3A_166] : memref<125x64xf32, #tpu.memory_space<vmem>> -> memref<125x64xf32, #tpu.memory_space<vmem>>
      %dma_start3A_168 = arith.constant 0 : i32
      %dma_start3A_169 = tpu.memref_slice %arg13[%add3A_111, %dma_start3A_168] : memref<20000x64xf32, #tpu.memory_space<vmem_shared>> -> memref<125x64xf32, #tpu.memory_space<vmem_shared>>
      %dma_start3A_170 = arith.constant 0 : i32
      %dma_start3A_171 = tpu.memref_slice %arg13[%add3A_111, %dma_start3A_170] : memref<20000x64xf32, #tpu.memory_space<vmem_shared>> -> memref<125x64xf32, #tpu.memory_space<vmem_shared>>
      %dma_start3A_172 = arith.constant 0 : i32
      %dma_start3A_173 = arith.constant 0 : i32
      %dma_start3A_174 = tpu.memref_slice %arg10[%rem3A_113, %dma_start3A_172, %dma_start3A_173] : memref<3x125x64xf32, #tpu.memory_space<vmem>> -> memref<1x125x64xf32, #tpu.memory_space<vmem>>
      %dma_start3A_175 = tpu.memref_squeeze %dma_start3A_174 : memref<1x125x64xf32, #tpu.memory_space<vmem>> -> memref<125x64xf32, #tpu.memory_space<vmem>>
      %dma_start3A_176 = arith.constant 0 : i32
      %dma_start3A_177 = arith.constant 0 : i32
      %dma_start3A_178 = tpu.memref_slice %dma_start3A_175[%dma_start3A_176, %dma_start3A_177] : memref<125x64xf32, #tpu.memory_space<vmem>> -> memref<125x64xf32, #tpu.memory_space<vmem>>
      tpu.enqueue_dma source(%dma_start3A_178 : memref<125x64xf32, #tpu.memory_space<vmem>>) target(%dma_start3A_171 : memref<125x64xf32, #tpu.memory_space<vmem_shared>>) target_semaphore(%arg16 : memref<!tpu.dma_semaphore, #tpu.memory_space<semaphore_mem>>)
      %mul3A_179 = arith.constant 64 : i32
      %mul3A_180 = arith.muli %arg0, %mul3A_179 : i32
      %dma_start3A_181 = arith.constant 0 : i32
      %dma_start3A_182 = arith.constant 0 : i32
      %dma_start3A_183 = tpu.memref_slice %arg10[%rem3A_113, %dma_start3A_181, %dma_start3A_182] : memref<3x125x64xf32, #tpu.memory_space<vmem>> -> memref<1x125x64xf32, #tpu.memory_space<vmem>>
      %dma_start3A_184 = tpu.memref_squeeze %dma_start3A_183 : memref<1x125x64xf32, #tpu.memory_space<vmem>> -> memref<125x64xf32, #tpu.memory_space<vmem>>
      %dma_start3A_185 = arith.constant 0 : i32
      %dma_start3A_186 = arith.constant 0 : i32
      %dma_start3A_187 = tpu.memref_slice %dma_start3A_184[%dma_start3A_185, %dma_start3A_186] : memref<125x64xf32, #tpu.memory_space<vmem>> -> memref<125x64xf32, #tpu.memory_space<vmem>>
      %dma_start3A_188 = tpu.memref_slice %arg7[%add3A_111, %mul3A_180] : memref<20000x128xf32, #tpu.memory_space<hbm>> -> memref<125x64xf32, #tpu.memory_space<hbm>>
      %dma_start3A_189 = tpu.memref_slice %arg7[%add3A_111, %mul3A_180] : memref<20000x128xf32, #tpu.memory_space<hbm>> -> memref<125x64xf32, #tpu.memory_space<hbm>>
      %dma_start3A_190 = arith.constant 0 : i32
      %dma_start3A_191 = arith.constant 0 : i32
      %dma_start3A_192 = tpu.memref_slice %arg10[%rem3A_113, %dma_start3A_190, %dma_start3A_191] : memref<3x125x64xf32, #tpu.memory_space<vmem>> -> memref<1x125x64xf32, #tpu.memory_space<vmem>>
      %dma_start3A_193 = tpu.memref_squeeze %dma_start3A_192 : memref<1x125x64xf32, #tpu.memory_space<vmem>> -> memref<125x64xf32, #tpu.memory_space<vmem>>
      %dma_start3A_194 = arith.constant 0 : i32
      %dma_start3A_195 = arith.constant 0 : i32
      %dma_start3A_196 = tpu.memref_slice %dma_start3A_193[%dma_start3A_194, %dma_start3A_195] : memref<125x64xf32, #tpu.memory_space<vmem>> -> memref<125x64xf32, #tpu.memory_space<vmem>>
      tpu.enqueue_dma source(%dma_start3A_196 : memref<125x64xf32, #tpu.memory_space<vmem>>) target(%dma_start3A_189 : memref<125x64xf32, #tpu.memory_space<hbm>>) target_semaphore(%arg17 : memref<!tpu.dma_semaphore, #tpu.memory_space<semaphore_mem>>)
      %scan3A_197 = arith.constant 0 : i32
      scf.yield %scan3A_197 : i32
    }
    %scan3A_59 = arith.constant 10 : i32
    %rem3A = arith.constant 9 : i32
    %rem3A_60 = arith.constant 2 : i32
    %rem3A_61 = arith.remsi %rem3A, %rem3A_60 : i32
    %add3A_62 = arith.constant 1125 : i32
    %add3A_63 = arith.addi %mul3A_0, %add3A_62 : i32
    %dma_wait3A = arith.constant 0 : i32
    %dma_wait3A_64 = arith.constant 0 : i32
    %dma_wait3A_65 = tpu.memref_slice %arg10[%rem3A_61, %dma_wait3A, %dma_wait3A_64] : memref<3x125x64xf32, #tpu.memory_space<vmem>> -> memref<1x125x64xf32, #tpu.memory_space<vmem>>
    %dma_wait3A_66 = tpu.memref_squeeze %dma_wait3A_65 : memref<1x125x64xf32, #tpu.memory_space<vmem>> -> memref<125x64xf32, #tpu.memory_space<vmem>>
    %dma_wait3A_67 = arith.constant 0 : i32
    %dma_wait3A_68 = arith.constant 0 : i32
    %dma_wait3A_69 = tpu.memref_slice %dma_wait3A_66[%dma_wait3A_67, %dma_wait3A_68] : memref<125x64xf32, #tpu.memory_space<vmem>> -> memref<125x64xf32, #tpu.memory_space<vmem>>
    %dma_wait3A_70 = arith.constant 0 : i32
    %dma_wait3A_71 = tpu.memref_slice %arg13[%add3A_63, %dma_wait3A_70] : memref<20000x64xf32, #tpu.memory_space<vmem_shared>> -> memref<125x64xf32, #tpu.memory_space<vmem_shared>>
    %dma_wait3A_72 = arith.constant 0 : i32
    %dma_wait3A_73 = tpu.memref_slice %arg13[%add3A_63, %dma_wait3A_72] : memref<20000x64xf32, #tpu.memory_space<vmem_shared>> -> memref<125x64xf32, #tpu.memory_space<vmem_shared>>
    %dma_wait3A_74 = arith.constant 0 : i32
    %dma_wait3A_75 = arith.constant 0 : i32
    %dma_wait3A_76 = tpu.memref_slice %arg10[%rem3A_61, %dma_wait3A_74, %dma_wait3A_75] : memref<3x125x64xf32, #tpu.memory_space<vmem>> -> memref<1x125x64xf32, #tpu.memory_space<vmem>>
    %dma_wait3A_77 = tpu.memref_squeeze %dma_wait3A_76 : memref<1x125x64xf32, #tpu.memory_space<vmem>> -> memref<125x64xf32, #tpu.memory_space<vmem>>
    %dma_wait3A_78 = arith.constant 0 : i32
    %dma_wait3A_79 = arith.constant 0 : i32
    %dma_wait3A_80 = tpu.memref_slice %dma_wait3A_77[%dma_wait3A_78, %dma_wait3A_79] : memref<125x64xf32, #tpu.memory_space<vmem>> -> memref<125x64xf32, #tpu.memory_space<vmem>>
    tpu.wait_dma2 semaphore(%arg16 : memref<!tpu.dma_semaphore, #tpu.memory_space<semaphore_mem>>) src(%dma_wait3A_80 : memref<125x64xf32, #tpu.memory_space<vmem>>) dst(%dma_wait3A_73 : memref<125x64xf32, #tpu.memory_space<vmem_shared>>)
    %mul3A_81 = arith.constant 64 : i32
    %mul3A_82 = arith.muli %arg0, %mul3A_81 : i32
    %dma_wait3A_83 = arith.constant 0 : i32
    %dma_wait3A_84 = arith.constant 0 : i32
    %dma_wait3A_85 = tpu.memref_slice %arg10[%rem3A_61, %dma_wait3A_83, %dma_wait3A_84] : memref<3x125x64xf32, #tpu.memory_space<vmem>> -> memref<1x125x64xf32, #tpu.memory_space<vmem>>
    %dma_wait3A_86 = tpu.memref_squeeze %dma_wait3A_85 : memref<1x125x64xf32, #tpu.memory_space<vmem>> -> memref<125x64xf32, #tpu.memory_space<vmem>>
    %dma_wait3A_87 = arith.constant 0 : i32
    %dma_wait3A_88 = arith.constant 0 : i32
    %dma_wait3A_89 = tpu.memref_slice %dma_wait3A_86[%dma_wait3A_87, %dma_wait3A_88] : memref<125x64xf32, #tpu.memory_space<vmem>> -> memref<125x64xf32, #tpu.memory_space<vmem>>
    %dma_wait3A_90 = tpu.memref_slice %arg7[%add3A_63, %mul3A_82] : memref<20000x128xf32, #tpu.memory_space<hbm>> -> memref<125x64xf32, #tpu.memory_space<hbm>>
    %dma_wait3A_91 = tpu.memref_slice %arg7[%add3A_63, %mul3A_82] : memref<20000x128xf32, #tpu.memory_space<hbm>> -> memref<125x64xf32, #tpu.memory_space<hbm>>
    %dma_wait3A_92 = arith.constant 0 : i32
    %dma_wait3A_93 = arith.constant 0 : i32
    %dma_wait3A_94 = tpu.memref_slice %arg10[%rem3A_61, %dma_wait3A_92, %dma_wait3A_93] : memref<3x125x64xf32, #tpu.memory_space<vmem>> -> memref<1x125x64xf32, #tpu.memory_space<vmem>>
    %dma_wait3A_95 = tpu.memref_squeeze %dma_wait3A_94 : memref<1x125x64xf32, #tpu.memory_space<vmem>> -> memref<125x64xf32, #tpu.memory_space<vmem>>
    %dma_wait3A_96 = arith.constant 0 : i32
    %dma_wait3A_97 = arith.constant 0 : i32
    %dma_wait3A_98 = tpu.memref_slice %dma_wait3A_95[%dma_wait3A_96, %dma_wait3A_97] : memref<125x64xf32, #tpu.memory_space<vmem>> -> memref<125x64xf32, #tpu.memory_space<vmem>>
    tpu.wait_dma2 semaphore(%arg17 : memref<!tpu.dma_semaphore, #tpu.memory_space<semaphore_mem>>) src(%dma_wait3A_98 : memref<125x64xf32, #tpu.memory_space<vmem>>) dst(%dma_wait3A_91 : memref<125x64xf32, #tpu.memory_space<hbm>>)
    %barrier3A_99 = arith.constant 0 : index
    tpu.barrier barrier_id(%barrier3A_99)
    %scan3A_100 = arith.constant 0 : i32
    %scan3A_101 = arith.constant 0 : i32
    %scan3A_102 = arith.constant 4 : i32
    %scan3A_103 = arith.addi %scan3A_101, %scan3A_102 : i32
    %scan3A_104 = arith.constant 1 : i32
    %scan3A_105 = scf.for %scan3A_107 = %scan3A_101 to %scan3A_103 step %scan3A_104 iter_args(%scan3A_108 = %scan3A_100) -> (i32)  : i32 {
      %mul3A_109 = arith.constant 160 : i32
      %mul3A_110 = arith.muli %arg1, %mul3A_109 : i32
      %mul3A_111 = arith.constant 40 : i32
      %mul3A_112 = arith.muli %scan3A_107, %mul3A_111 : i32
      %add3A_113 = arith.addi %mul3A_110, %mul3A_112 : i32
      "tpu.region"() ({
        %run_scoped3A = tpu.sem_alloc : memref<!tpu.dma_semaphore, #tpu.memory_space<semaphore_mem>>
        %dma_start3A_167 = arith.constant 0 : i32
        %dma_start3A_168 = tpu.memref_slice %arg4[%add3A_113, %dma_start3A_167] : memref<2560x125xi32, #tpu.memory_space<hbm>> -> memref<40x125xi32, #tpu.memory_space<hbm>>
        %dma_start3A_169 = arith.constant 0 : i32
        %dma_start3A_170 = tpu.memref_slice %arg4[%add3A_113, %dma_start3A_169] : memref<2560x125xi32, #tpu.memory_space<hbm>> -> memref<40x125xi32, #tpu.memory_space<hbm>>
        tpu.enqueue_dma source(%dma_start3A_170 : memref<40x125xi32, #tpu.memory_space<hbm>>) target(%arg9 : memref<40x125xi32, #tpu.memory_space<vmem>>) target_semaphore(%run_scoped3A : memref<!tpu.dma_semaphore, #tpu.memory_space<semaphore_mem>>)
        %dma_wait3A_171 = arith.constant 0 : i32
        %dma_wait3A_172 = tpu.memref_slice %arg4[%add3A_113, %dma_wait3A_171] : memref<2560x125xi32, #tpu.memory_space<hbm>> -> memref<40x125xi32, #tpu.memory_space<hbm>>
        %dma_wait3A_173 = arith.constant 0 : i32
        %dma_wait3A_174 = tpu.memref_slice %arg4[%add3A_113, %dma_wait3A_173] : memref<2560x125xi32, #tpu.memory_space<hbm>> -> memref<40x125xi32, #tpu.memory_space<hbm>>
        tpu.wait_dma2 semaphore(%run_scoped3A : memref<!tpu.dma_semaphore, #tpu.memory_space<semaphore_mem>>) src(%dma_wait3A_174 : memref<40x125xi32, #tpu.memory_space<hbm>>) dst(%arg9 : memref<40x125xi32, #tpu.memory_space<vmem>>)
        tpu.yield
      }) : () -> ()
      %dma_start3A_114 = arith.constant 0 : i32
      %dma_start3A_115 = arith.constant 0 : i32
      %dma_start3A_116 = arith.constant 0 : i32
      %dma_start3A_117 = arith.constant 0 : i32
      %dma_start3A_118 = tpu.memref_slice %arg10[%dma_start3A_115, %dma_start3A_116, %dma_start3A_117] : memref<3x125x64xf32, #tpu.memory_space<vmem>> -> memref<1x125x64xf32, #tpu.memory_space<vmem>>
      %dma_start3A_119 = tpu.memref_squeeze %dma_start3A_118 : memref<1x125x64xf32, #tpu.memory_space<vmem>> -> memref<125x64xf32, #tpu.memory_space<vmem>>
      %dma_start3A_120 = arith.constant 0 : i32
      %dma_start3A_121 = tpu.memref_slice %arg9[%dma_start3A_114, %dma_start3A_120] : memref<40x125xi32, #tpu.memory_space<vmem>> -> memref<1x125xi32, #tpu.memory_space<vmem>>
      %dma_start3A_122 = tpu.memref_squeeze %dma_start3A_121 : memref<1x125xi32, #tpu.memory_space<vmem>> -> memref<125xi32, #tpu.memory_space<vmem>>
      %dma_start3A_123 = arith.constant 0 : i32
      %dma_start3A_124 = arith.constant 0 : i32
      %dma_start3A_125 = tpu.memref_slice %arg13[%dma_start3A_123, %dma_start3A_124] : memref<20000x64xf32, #tpu.memory_space<vmem_shared>> -> memref<20000x64xf32, #tpu.memory_space<vmem_shared>>
      tpu.enqueue_indirect_dma source(%dma_start3A_125 : memref<20000x64xf32, #tpu.memory_space<vmem_shared>>) target(%dma_start3A_119 : memref<125x64xf32, #tpu.memory_space<vmem>>) offsets(%dma_start3A_122 : memref<125xi32, #tpu.memory_space<vmem>>) semaphore(%arg15 : memref<!tpu.dma_semaphore, #tpu.memory_space<semaphore_mem>>)
      %dma_start3A_126 = arith.constant 1 : i32
      %dma_start3A_127 = arith.constant 1 : i32
      %dma_start3A_128 = arith.constant 0 : i32
      %dma_start3A_129 = arith.constant 0 : i32
      %dma_start3A_130 = tpu.memref_slice %arg10[%dma_start3A_127, %dma_start3A_128, %dma_start3A_129] : memref<3x125x64xf32, #tpu.memory_space<vmem>> -> memref<1x125x64xf32, #tpu.memory_space<vmem>>
      %dma_start3A_131 = tpu.memref_squeeze %dma_start3A_130 : memref<1x125x64xf32, #tpu.memory_space<vmem>> -> memref<125x64xf32, #tpu.memory_space<vmem>>
      %dma_start3A_132 = arith.constant 0 : i32
      %dma_start3A_133 = tpu.memref_slice %arg9[%dma_start3A_126, %dma_start3A_132] : memref<40x125xi32, #tpu.memory_space<vmem>> -> memref<1x125xi32, #tpu.memory_space<vmem>>
      %dma_start3A_134 = tpu.memref_squeeze %dma_start3A_133 : memref<1x125xi32, #tpu.memory_space<vmem>> -> memref<125xi32, #tpu.memory_space<vmem>>
      %dma_start3A_135 = arith.constant 0 : i32
      %dma_start3A_136 = arith.constant 0 : i32
      %dma_start3A_137 = tpu.memref_slice %arg13[%dma_start3A_135, %dma_start3A_136] : memref<20000x64xf32, #tpu.memory_space<vmem_shared>> -> memref<20000x64xf32, #tpu.memory_space<vmem_shared>>
      tpu.enqueue_indirect_dma source(%dma_start3A_137 : memref<20000x64xf32, #tpu.memory_space<vmem_shared>>) target(%dma_start3A_131 : memref<125x64xf32, #tpu.memory_space<vmem>>) offsets(%dma_start3A_134 : memref<125xi32, #tpu.memory_space<vmem>>) semaphore(%arg15 : memref<!tpu.dma_semaphore, #tpu.memory_space<semaphore_mem>>)
      %scan3A_138 = arith.constant 0 : i32
      %scan3A_139 = arith.constant 0 : i32
      %scan3A_140 = arith.constant 40 : i32
      %scan3A_141 = arith.addi %scan3A_139, %scan3A_140 : i32
      %scan3A_142 = arith.constant 1 : i32
      %scan3A_143 = scf.for %scan3A_167 = %scan3A_139 to %scan3A_141 step %scan3A_142 iter_args(%scan3A_168 = %scan3A_138) -> (i32)  : i32 {
        %rem3A_169 = arith.constant 3 : i32
        %rem3A_170 = arith.remsi %scan3A_167, %rem3A_169 : i32
        %dma_wait3A_171 = arith.constant 0 : i32
        %dma_wait3A_172 = arith.constant 0 : i32
        %dma_wait3A_173 = tpu.memref_slice %arg10[%rem3A_170, %dma_wait3A_171, %dma_wait3A_172] : memref<3x125x64xf32, #tpu.memory_space<vmem>> -> memref<1x125x64xf32, #tpu.memory_space<vmem>>
        %dma_wait3A_174 = tpu.memref_squeeze %dma_wait3A_173 : memref<1x125x64xf32, #tpu.memory_space<vmem>> -> memref<125x64xf32, #tpu.memory_space<vmem>>
        %dma_wait3A_175 = arith.constant 0 : i32
        %dma_wait3A_176 = tpu.memref_slice %arg9[%scan3A_167, %dma_wait3A_175] : memref<40x125xi32, #tpu.memory_space<vmem>> -> memref<1x125xi32, #tpu.memory_space<vmem>>
        %dma_wait3A_177 = tpu.memref_squeeze %dma_wait3A_176 : memref<1x125xi32, #tpu.memory_space<vmem>> -> memref<125xi32, #tpu.memory_space<vmem>>
        %dma_wait3A_178 = arith.constant 0 : i32
        %dma_wait3A_179 = arith.constant 0 : i32
        %dma_wait3A_180 = tpu.memref_slice %arg13[%dma_wait3A_178, %dma_wait3A_179] : memref<20000x64xf32, #tpu.memory_space<vmem_shared>> -> memref<20000x64xf32, #tpu.memory_space<vmem_shared>>
        tpu.wait_indirect_dma semaphore(%arg15 : memref<!tpu.dma_semaphore, #tpu.memory_space<semaphore_mem>>) src(%dma_wait3A_180 : memref<20000x64xf32, #tpu.memory_space<vmem_shared>>) dst(%dma_wait3A_174 : memref<125x64xf32, #tpu.memory_space<vmem>>)
        %ge3A = arith.constant 1 : i32
        %ge3A_181 = arith.cmpi sge, %scan3A_167, %ge3A : i32
        %convert_element_type3A = arith.extui %ge3A_181 : i1 to i32
        %cond3A = arith.constant 0 : i32
        %cond3A_182 = arith.cmpi ne, %convert_element_type3A, %cond3A : i32
        scf.if %cond3A_182 {
          %add3A_208 = arith.constant 2 : i32
          %add3A_209 = arith.addi %scan3A_167, %add3A_208 : i32
          %rem3A_210 = arith.constant 3 : i32
          %rem3A_211 = arith.remsi %add3A_209, %rem3A_210 : i32
          %mul3A_212 = arith.constant 40 : i32
          %mul3A_213 = arith.muli %scan3A_107, %mul3A_212 : i32
          %add3A_214 = arith.addi %mul3A_213, %scan3A_167 : i32
          %sub3A_215 = arith.constant 1 : i32
          %sub3A_216 = arith.subi %add3A_214, %sub3A_215 : i32
          %mul3A_217 = arith.constant 125 : i32
          %mul3A_218 = arith.muli %sub3A_216, %mul3A_217 : i32
          %add3A_219 = arith.addi %mul3A_2, %mul3A_218 : i32
          %mul3A_220 = arith.constant 64 : i32
          %mul3A_221 = arith.muli %arg0, %mul3A_220 : i32
          %dma_wait3A_222 = arith.constant 0 : i32
          %dma_wait3A_223 = arith.constant 0 : i32
          %dma_wait3A_224 = tpu.memref_slice %arg10[%rem3A_211, %dma_wait3A_222, %dma_wait3A_223] : memref<3x125x64xf32, #tpu.memory_space<vmem>> -> memref<1x125x64xf32, #tpu.memory_space<vmem>>
          %dma_wait3A_225 = tpu.memref_squeeze %dma_wait3A_224 : memref<1x125x64xf32, #tpu.memory_space<vmem>> -> memref<125x64xf32, #tpu.memory_space<vmem>>
          %dma_wait3A_226 = tpu.memref_slice %arg6[%add3A_219, %mul3A_221] : memref<320000x128xf32, #tpu.memory_space<hbm>> -> memref<125x64xf32, #tpu.memory_space<hbm>>
          %dma_wait3A_227 = tpu.memref_slice %arg6[%add3A_219, %mul3A_221] : memref<320000x128xf32, #tpu.memory_space<hbm>> -> memref<125x64xf32, #tpu.memory_space<hbm>>
          %dma_wait3A_228 = arith.constant 0 : i32
          %dma_wait3A_229 = arith.constant 0 : i32
          %dma_wait3A_230 = tpu.memref_slice %arg10[%rem3A_211, %dma_wait3A_228, %dma_wait3A_229] : memref<3x125x64xf32, #tpu.memory_space<vmem>> -> memref<1x125x64xf32, #tpu.memory_space<vmem>>
          %dma_wait3A_231 = tpu.memref_squeeze %dma_wait3A_230 : memref<1x125x64xf32, #tpu.memory_space<vmem>> -> memref<125x64xf32, #tpu.memory_space<vmem>>
          tpu.wait_dma2 semaphore(%arg17 : memref<!tpu.dma_semaphore, #tpu.memory_space<semaphore_mem>>) src(%dma_wait3A_231 : memref<125x64xf32, #tpu.memory_space<vmem>>) dst(%dma_wait3A_227 : memref<125x64xf32, #tpu.memory_space<hbm>>)
        } else {
        }
        %add3A_183 = arith.constant 2 : i32
        %add3A_184 = arith.addi %scan3A_167, %add3A_183 : i32
        %lt3A = arith.constant 40 : i32
        %lt3A_185 = arith.cmpi slt, %add3A_184, %lt3A : i32
        %convert_element_type3A_186 = arith.extui %lt3A_185 : i1 to i32
        %cond3A_187 = arith.constant 0 : i32
        %cond3A_188 = arith.cmpi ne, %convert_element_type3A_186, %cond3A_187 : i32
        scf.if %cond3A_188 {
          %add3A_208 = arith.constant 2 : i32
          %add3A_209 = arith.addi %scan3A_167, %add3A_208 : i32
          %add3A_210 = arith.constant 2 : i32
          %add3A_211 = arith.addi %scan3A_167, %add3A_210 : i32
          %rem3A_212 = arith.constant 3 : i32
          %rem3A_213 = arith.remsi %add3A_211, %rem3A_212 : i32
          %dma_start3A_214 = arith.constant 0 : i32
          %dma_start3A_215 = arith.constant 0 : i32
          %dma_start3A_216 = tpu.memref_slice %arg10[%rem3A_213, %dma_start3A_214, %dma_start3A_215] : memref<3x125x64xf32, #tpu.memory_space<vmem>> -> memref<1x125x64xf32, #tpu.memory_space<vmem>>
          %dma_start3A_217 = tpu.memref_squeeze %dma_start3A_216 : memref<1x125x64xf32, #tpu.memory_space<vmem>> -> memref<125x64xf32, #tpu.memory_space<vmem>>
          %dma_start3A_218 = arith.constant 0 : i32
          %dma_start3A_219 = tpu.memref_slice %arg9[%add3A_209, %dma_start3A_218] : memref<40x125xi32, #tpu.memory_space<vmem>> -> memref<1x125xi32, #tpu.memory_space<vmem>>
          %dma_start3A_220 = tpu.memref_squeeze %dma_start3A_219 : memref<1x125xi32, #tpu.memory_space<vmem>> -> memref<125xi32, #tpu.memory_space<vmem>>
          %dma_start3A_221 = arith.constant 0 : i32
          %dma_start3A_222 = arith.constant 0 : i32
          %dma_start3A_223 = tpu.memref_slice %arg13[%dma_start3A_221, %dma_start3A_222] : memref<20000x64xf32, #tpu.memory_space<vmem_shared>> -> memref<20000x64xf32, #tpu.memory_space<vmem_shared>>
          tpu.enqueue_indirect_dma source(%dma_start3A_223 : memref<20000x64xf32, #tpu.memory_space<vmem_shared>>) target(%dma_start3A_217 : memref<125x64xf32, #tpu.memory_space<vmem>>) offsets(%dma_start3A_220 : memref<125xi32, #tpu.memory_space<vmem>>) semaphore(%arg15 : memref<!tpu.dma_semaphore, #tpu.memory_space<semaphore_mem>>)
        } else {
        }
        %mul3A_189 = arith.constant 40 : i32
        %mul3A_190 = arith.muli %scan3A_107, %mul3A_189 : i32
        %add3A_191 = arith.addi %mul3A_190, %scan3A_167 : i32
        %mul3A_192 = arith.constant 125 : i32
        %mul3A_193 = arith.muli %add3A_191, %mul3A_192 : i32
        %add3A_194 = arith.addi %mul3A_2, %mul3A_193 : i32
        %mul3A_195 = arith.constant 64 : i32
        %mul3A_196 = arith.muli %arg0, %mul3A_195 : i32
        %dma_start3A_197 = arith.constant 0 : i32
        %dma_start3A_198 = arith.constant 0 : i32
        %dma_start3A_199 = tpu.memref_slice %arg10[%rem3A_170, %dma_start3A_197, %dma_start3A_198] : memref<3x125x64xf32, #tpu.memory_space<vmem>> -> memref<1x125x64xf32, #tpu.memory_space<vmem>>
        %dma_start3A_200 = tpu.memref_squeeze %dma_start3A_199 : memref<1x125x64xf32, #tpu.memory_space<vmem>> -> memref<125x64xf32, #tpu.memory_space<vmem>>
        %dma_start3A_201 = tpu.memref_slice %arg6[%add3A_194, %mul3A_196] : memref<320000x128xf32, #tpu.memory_space<hbm>> -> memref<125x64xf32, #tpu.memory_space<hbm>>
        %dma_start3A_202 = tpu.memref_slice %arg6[%add3A_194, %mul3A_196] : memref<320000x128xf32, #tpu.memory_space<hbm>> -> memref<125x64xf32, #tpu.memory_space<hbm>>
        %dma_start3A_203 = arith.constant 0 : i32
        %dma_start3A_204 = arith.constant 0 : i32
        %dma_start3A_205 = tpu.memref_slice %arg10[%rem3A_170, %dma_start3A_203, %dma_start3A_204] : memref<3x125x64xf32, #tpu.memory_space<vmem>> -> memref<1x125x64xf32, #tpu.memory_space<vmem>>
        %dma_start3A_206 = tpu.memref_squeeze %dma_start3A_205 : memref<1x125x64xf32, #tpu.memory_space<vmem>> -> memref<125x64xf32, #tpu.memory_space<vmem>>
        tpu.enqueue_dma source(%dma_start3A_206 : memref<125x64xf32, #tpu.memory_space<vmem>>) target(%dma_start3A_202 : memref<125x64xf32, #tpu.memory_space<hbm>>) target_semaphore(%arg17 : memref<!tpu.dma_semaphore, #tpu.memory_space<semaphore_mem>>)
        %scan3A_207 = arith.constant 0 : i32
        scf.yield %scan3A_207 : i32
      }
      %scan3A_144 = arith.constant 40 : i32
      %mul3A_145 = arith.constant 40 : i32
      %mul3A_146 = arith.muli %scan3A_107, %mul3A_145 : i32
      %add3A_147 = arith.constant 40 : i32
      %add3A_148 = arith.addi %mul3A_146, %add3A_147 : i32
      %sub3A = arith.constant 1 : i32
      %sub3A_149 = arith.subi %add3A_148, %sub3A : i32
      %mul3A_150 = arith.constant 125 : i32
      %mul3A_151 = arith.muli %sub3A_149, %mul3A_150 : i32
      %add3A_152 = arith.addi %mul3A_2, %mul3A_151 : i32
      %mul3A_153 = arith.constant 64 : i32
      %mul3A_154 = arith.muli %arg0, %mul3A_153 : i32
      %dma_wait3A_155 = arith.constant 0 : i32
      %dma_wait3A_156 = arith.constant 0 : i32
      %dma_wait3A_157 = arith.constant 0 : i32
      %dma_wait3A_158 = tpu.memref_slice %arg10[%dma_wait3A_155, %dma_wait3A_156, %dma_wait3A_157] : memref<3x125x64xf32, #tpu.memory_space<vmem>> -> memref<1x125x64xf32, #tpu.memory_space<vmem>>
      %dma_wait3A_159 = tpu.memref_squeeze %dma_wait3A_158 : memref<1x125x64xf32, #tpu.memory_space<vmem>> -> memref<125x64xf32, #tpu.memory_space<vmem>>
      %dma_wait3A_160 = tpu.memref_slice %arg6[%add3A_152, %mul3A_154] : memref<320000x128xf32, #tpu.memory_space<hbm>> -> memref<125x64xf32, #tpu.memory_space<hbm>>
      %dma_wait3A_161 = tpu.memref_slice %arg6[%add3A_152, %mul3A_154] : memref<320000x128xf32, #tpu.memory_space<hbm>> -> memref<125x64xf32, #tpu.memory_space<hbm>>
      %dma_wait3A_162 = arith.constant 0 : i32
      %dma_wait3A_163 = arith.constant 0 : i32
      %dma_wait3A_164 = tpu.memref_slice %arg10[%dma_wait3A_155, %dma_wait3A_162, %dma_wait3A_163] : memref<3x125x64xf32, #tpu.memory_space<vmem>> -> memref<1x125x64xf32, #tpu.memory_space<vmem>>
      %dma_wait3A_165 = tpu.memref_squeeze %dma_wait3A_164 : memref<1x125x64xf32, #tpu.memory_space<vmem>> -> memref<125x64xf32, #tpu.memory_space<vmem>>
      tpu.wait_dma2 semaphore(%arg17 : memref<!tpu.dma_semaphore, #tpu.memory_space<semaphore_mem>>) src(%dma_wait3A_165 : memref<125x64xf32, #tpu.memory_space<vmem>>) dst(%dma_wait3A_161 : memref<125x64xf32, #tpu.memory_space<hbm>>)
      %scan3A_166 = arith.constant 0 : i32
      scf.yield %scan3A_166 : i32
    }
    %scan3A_106 = arith.constant 4 : i32
    return
  }
}

module attributes {stable_mosaic.version = 14 : i64} {
  func.func @_mm_body(%arg0: i32, %arg1: memref<2000x128xf32, #tpu.memory_space<vmem>>, %arg2: memref<128x128xf32, #tpu.memory_space<vmem>>, %arg3: memref<2000x128xf32, #tpu.memory_space<vmem>>) attributes {dimension_semantics = [#tpu.dimension_semantics<arbitrary>], iteration_bounds = array<i64: 5>, scalar_prefetch = 0 : i64, scratch_operands = 0 : i64, tpu.core_type = #tpu.core_type<tc>, window_params = [{transform_indices = @transform_0, window_bounds = array<i64: 2000, 128>}, {pipeline_mode = #tpu.pipeline_mode<synchronous>, transform_indices = @transform_1, window_bounds = array<i64: 128, 128>}, {transform_indices = @transform_2, window_bounds = array<i64: 2000, 128>}]} {
    %get3A = arith.constant 0 : index
    %get3A_0 = arith.constant 0 : index
    %get3A_1 = vector.load %arg1[%get3A, %get3A_0] : memref<2000x128xf32, #tpu.memory_space<vmem>>, vector<2000x128xf32>
    %get3A_2 = arith.constant 0 : index
    %get3A_3 = arith.constant 0 : index
    %get3A_4 = vector.load %arg2[%get3A_2, %get3A_3] : memref<128x128xf32, #tpu.memory_space<vmem>>, vector<128x128xf32>
    %dot_general3A = arith.constant dense<0.000000e+00> : vector<2000x128xf32>
    %dot_general3A_5 = tpu.matmul %get3A_1, %get3A_4, %dot_general3A {dimension_numbers = #tpu.dot_dimension_numbers<[1], [1], [0], [0], [0, 0, 1, 0], [], []>, transpose_lhs_hint = false} : vector<2000x128xf32>, vector<128x128xf32>, vector<2000x128xf32> -> vector<2000x128xf32>
    %swap3A = arith.constant 0 : index
    %swap3A_6 = arith.constant 0 : index
    %swap3A_7 = vector.load %arg3[%swap3A, %swap3A_6] : memref<2000x128xf32, #tpu.memory_space<vmem>>, vector<2000x128xf32>
    tpu.vector_store %arg3[%swap3A, %swap3A_6], %dot_general3A_5 {strides = array<i32>} : memref<2000x128xf32, #tpu.memory_space<vmem>>, vector<2000x128xf32>,
    return
  }
  func.func @transform_0(%arg0: i32) -> (i32, i32) {
    %c0_i32 = arith.constant 0 : i32
    %c0_i32_0 = arith.constant 0 : i32
    return %arg0, %c0_i32 : i32, i32
  }
  func.func @transform_1(%arg0: i32) -> (i32, i32) {
    %c0_i32 = arith.constant 0 : i32
    %c0_i32_0 = arith.constant 0 : i32
    %c0_i32_1 = arith.constant 0 : i32
    return %c0_i32, %c0_i32_0 : i32, i32
  }
  func.func @transform_2(%arg0: i32) -> (i32, i32) {
    %c0_i32 = arith.constant 0 : i32
    %c0_i32_0 = arith.constant 0 : i32
    return %arg0, %c0_i32 : i32, i32
  }
}

</mosaic_0001>

<sc_bundles>
// kernel: kernel.4.cloned.1.call-start
scs
__scs_entry_jumppad:
0x0: {  	(pc) =	sbr.rel $0x88, $3  }
0x1: {  	(tag) =	ssettag $0x0;
	lr =	simm.s32 $0x1  }
0x2: {  	[smem:$0x3F9D] =	sst lr;
	_ =	strace $0xD0000000  }
0x3: {  	_ = 	snop  }
0x4: {  	_ = 	snop  }
0x5: {  	_ = 	snop  }
0x6: {  	_ = 	snop  }
0x7: {  	_ = 	snop  }
__scs_overlays_trampoline_lowered:
0x8: {  	[smem:$0x3FAC] =	sst s0  }
0x9: {  	[smem:$0x3FAD] =	sst s1  }
0xa: {  	[smem:$0x3FAE] =	sst s2  }
0xb: {  	[smem:$0x3FAF] =	sst s3  }
0xc: {  	[smem:$0x3FB0] =	sst s4  }
0xd: {  	[smem:$0x3FB1] =	sst s5  }
0xe: {  	[smem:$0x3FB2] =	sst s6  }
0xf: {  	[smem:$0x3FB3] =	sst s7  }
0x10: {  	[smem:$0x3FB4] =	sst s8  }
0x11: {  	[smem:$0x3FB5] =	sst s9;
	s0 =	simm.s32 @!p0 $0x0  }
0x12: {  	s1 =	sld [smem:$0x3F9B];
	s0 =	simm.s32 @p0 $0x1  }
0x13: {  	[smem:$0x3FB6] =	sst s0;
	s0 =	simm.s32 @!p1 $0x0  }
0x14: {  	s2 =	sld [smem:$0x3F9A];
	s0 =	simm.s32 @p1 $0x1  }
0x15: {  	[smem:$0x3FB7] =	sst s0;
	s0 =	simm.s32 @!p2 $0x0  }
0x16: {  	s3 =	sld [smem:$0x3FDB];
	s0 =	simm.s32 @p2 $0x1  }
0x17: {  	s4 =	simm.s32 $0x1BF5;
	[smem:$0x3FB9] =	sst s0  }
0x18: {  	s0 =	sld [smem:$0x3F9C];
	_ =	swait.ge [sflag:s4], $0x0  }
0x19: {  	s7 =	sld [smem:$0x3F9D]  }
0x1a: {  	s8 =	sadd.s32 $0xFFFFE003, lr  }
0x1b: {  	s9 =	sadd.s32 $0xFFFFFEF7, lr;
	s5 =	simm.s32 $0xFFFFFFFF;
	p2 =	slt.u32 s8, $0xFFFFF086  }
0x1c: {  	p1 =	slt.u32 s9, $0xF7A;
	s5 =	simm.s32 @!p2 $0x0  }
0x1d: {  	s5 =	simm.s32 @p1 $0x1;
	p0 =	seq.s32 s7, s2  }
0x1e: {  	s7 =	smul.u32 @!p0 $0xF7A, s2;
	p2 =	seq.s32 @!p0 s5, $0x0  }
0x1f: {  	s9 =	smul.u32 $0xF7A, s1;
	s8 =	simm.s32 @!p0 $0x1BF5;
	p2 =	por !p2, p0  }
0x20: {  	[sflag:s8] =	ssyncset.s32 @!p0 $0xFFFFF086;
	s6 =	sadd.s32 @!p0 s3, s7;
	s7 =	simm.s32 @!p0 $0x108  }
0x21: {  	s3 =	sadd.s32 s3, s9;
	s6 =	sadd.s32 @!p0 $0x88, s6;
	s7 =	simm.s32 @p2 $0x1082  }
0x22: {  	[simem:s7], [sflag:s8] =	dma.local @!p0 [hbm:s6], $0xF7A  }
0x23: {  	s9 =	sor.u32 $0xD0000000, s2;
	s6 =	simm.s32 $0x108;
	_ =	swait.ge @!p0 [sflag:s8], $0x0  }
0x24: {  	s3 =	sadd.s32 $0x88, s3;
	s6 =	simm.s32 @!p1 $0x1082;
	[sflag:s4] =	ssyncset.s32 $0xFFFFF086  }
0x25: {  	[simem:s6], [sflag:s4] =	dma.local [hbm:s3], $0xF7A  }
0x26: {  	[smem:$0x3F9D] =	sst s1;
	(tag) =	ssettag s2;
	_ =	strace s9  }
0x27: {  	s1 =	sld [smem:$0x3FAD]  }
0x28: {  	s2 =	sld [smem:$0x3FAE]  }
0x29: {  	s4 =	sld [smem:$0x3FB0]  }
0x2a: {  	p0 =	seq.s32 s5, $0x0;
	s5 =	sld [smem:$0x3FB1]  }
0x2b: {  	s6 =	sld [smem:$0x3FB2]  }
0x2c: {  	s7 =	sld [smem:$0x3FB3]  }
0x2d: {  	s3 =	simm.s32 $0x108;
	s8 =	sld [smem:$0x3FB4]  }
0x2e: {  	s3 =	simm.s32 @!p0 $0x1082;
	s9 =	sld [smem:$0x3FB5]  }
0x2f: {  	lr =	sadd.s32 s0, s3;
	s0 =	sld [smem:$0x3FAC]  }
0x30: {  	s3 =	sld [smem:$0x3FAF]  }
0x31: {  	[smem:$0x3FB8] =	sst s10  }
0x32: {  	s10 =	sld [smem:$0x3FB6];
	_ =	sdelay $0x3  }
0x33: {  	p0 =	seq.s32 s10, $0x1;
	s10 =	sld [smem:$0x3FB8];
	_ =	sdelay $0x3  }
0x34: {  	[smem:$0x3FB8] =	sst s10  }
0x35: {  	s10 =	sld [smem:$0x3FB7];
	_ =	sdelay $0x3  }
0x36: {  	p1 =	seq.s32 s10, $0x1;
	s10 =	sld [smem:$0x3FB8];
	_ =	sdelay $0x3  }
0x37: {  	[smem:$0x3FB8] =	sst s10  }
0x38: {  	s10 =	sld [smem:$0x3FB9]  }
0x39: {  	_ = 	snop;
	(pc) =	sbr.ind lr, $3  }
0x3a: {  	_ = 	snop  }
0x3b: {  	_ = 	snop  }
0x3c: {  	p2 =	seq.s32 s10, $0x1;
	s10 =	sld [smem:$0x3FB8]  }
0x3d: {  	_ =	shalt  }
0x3e: {  	_ =	shalt  }
0x3f: {  	_ =	shalt  }
0x40: {  	_ =	shalt  }
0x41: {  	_ =	shalt  }
0x42: {  	_ =	shalt  }
0x43: {  	_ =	shalt  }
0x44: {  	_ =	shalt  }
0x45: {  	_ =	shalt  }
0x46: {  	_ =	shalt  }
0x47: {  	_ =	shalt  }
0x48: {  	_ =	shalt  }
0x49: {  	_ =	shalt  }
0x4a: {  	_ =	shalt  }
0x4b: {  	_ =	shalt  }
0x4c: {  	_ =	shalt  }
0x4d: {  	_ =	shalt  }
0x4e: {  	_ =	shalt  }
0x4f: {  	_ =	shalt  }
0x50: {  	_ =	shalt  }
0x51: {  	_ =	shalt  }
0x52: {  	_ =	shalt  }
0x53: {  	_ =	shalt  }
0x54: {  	_ =	shalt  }
0x55: {  	_ =	shalt  }
0x56: {  	_ =	shalt  }
0x57: {  	_ =	shalt  }
0x58: {  	_ =	shalt  }
0x59: {  	_ =	shalt  }
0x5a: {  	_ =	shalt  }
0x5b: {  	_ =	shalt  }
0x5c: {  	_ =	shalt  }
0x5d: {  	_ =	shalt  }
0x5e: {  	_ =	shalt  }
0x5f: {  	_ =	shalt  }
0x60: {  	_ =	shalt  }
0x61: {  	_ =	shalt  }
0x62: {  	_ =	shalt  }
0x63: {  	_ =	shalt  }
0x64: {  	_ =	shalt  }
0x65: {  	_ =	shalt  }
0x66: {  	_ =	shalt  }
0x67: {  	_ =	shalt  }
0x68: {  	_ =	shalt  }
0x69: {  	_ =	shalt  }
0x6a: {  	_ =	shalt  }
0x6b: {  	_ =	shalt  }
0x6c: {  	_ =	shalt  }
0x6d: {  	_ =	shalt  }
0x6e: {  	_ =	shalt  }
0x6f: {  	_ =	shalt  }
0x70: {  	_ =	shalt  }
0x71: {  	_ =	shalt  }
0x72: {  	_ =	shalt  }
0x73: {  	_ =	shalt  }
0x74: {  	_ =	shalt  }
0x75: {  	_ =	shalt  }
0x76: {  	_ =	shalt  }
0x77: {  	_ =	shalt  }
0x78: {  	_ =	shalt  }
0x79: {  	_ =	shalt  }
0x7a: {  	_ =	shalt  }
0x7b: {  	_ =	shalt  }
0x7c: {  	_ =	shalt  }
0x7d: {  	_ =	shalt  }
0x7e: {  	_ =	shalt  }
0x7f: {  	_ =	shalt  }
0x80: {  	_ =	shalt  }
0x81: {  	_ =	shalt  }
0x82: {  	_ =	shalt  }
0x83: {  	_ =	shalt  }
0x84: {  	_ =	shalt  }
0x85: {  	_ =	shalt  }
0x86: {  	_ =	shalt  }
0x87: {  	_ =	shalt  }
.Lfunc_end0:
.L_simem_size_0:
called_computation_lowered:
.L_overlay_start_0:
0x88: {  	s2 =	sld [smem:$0x3FD9]  }
0x89: {  	s3 =	sld [smem:$0x3FFE];
	_ =	sdelay $0x1  }
0x8a: {  	s1 =	srdreg.scid  }
0x8b: {  	s0 =	sand.u32 $0x1, s1  }
0x8c: {  	s14 =	sshll.u32 s0, $0xA;
	s2 =	sadd.s32 s3, s2  }
0x8d: {  	s2 =	sadd.s32 s2, s14  }
0x8e: {  	[smem:$0x3FC4] =	sst s2  }
0x8f: {  	_ = 	snop  }
0x90: {  	s2 =	sld [smem:$0x3FD0];
	_ =	sdelay $0x2  }
0x91: {  	s15 =	simm.s32 $0xA;
	s4 =	simm.s32 $0x10  }
0x92: {  	[smem:s4], [sflag:s15] =	dma.local [hbm:s2], $0x1  }
0x93: {  	_ =	swait.eq [sflag:s15], $0x1  }
0x94: {  	[sflag:s15] =	ssyncset.done $0x0  }
0x95: {  	s16 =	sld [smem:$0x10];
	[sflag:s15] =	ssyncadd.s32 $0xFFFFFFFF  }
0x96: {  	s17 =	sld [smem:$0x11];
	(tm) =	ssettm $0x1  }
0x97: {  	s18 =	sld [smem:$0x3FFB];
	_ =	sdelay $0x3  }
0x98: {  	_ =	strace s18  }
0x99: {  	s4 =	sld [smem:$0x3FFC];
	_ =	sdelay $0x3  }
0x9a: {  	_ =	strace s4  }
0x9b: {  	s4 =	sld [smem:$0x3FFD];
	_ =	sdelay $0x3  }
0x9c: {  	_ =	strace s4  }
0x9d: {  	_ =	strace $0x8FFFFFFF  }
0x9e: {  	s19 =	sld [smem:$0x3FDB];
	_ =	sdelay $0x1  }
0x9f: {  	s5 =	simm.s32 $_scs_section_size  }
0xa0: {  	s6 =	simm.s32 $_size__tile_overlayer_lowered;
	s7 =	simm.s32 $_tile_overlayer_lowered  }
0xa1: {  	s22 =	simm.s32 $0x1BFF;
	s21 =	sshll.u32 s7, $0x1;
	s4 =	sadd.s32 s5, s19  }
0xa2: {  	s8 =	simm.s32 $0x0;
	s20 =	sshll.u32 s6, $0x1;
	s6 =	sadd.s32 s21, s4  }
0xa3: {  	[timem:s8], [sflag:s22] =	dma.local [hbm:s6], s20  }
0xa4: {  	_ =	swait.ge [sflag:s22], s20  }
0xa5: {  	s5 =	ssub.s32 $0x0, s20;
	[sflag:s22] =	ssyncset.done $0x0  }
0xa6: {  	[sflag:s22] =	ssyncadd.s32 s5;
	_ =	sdelay $0x1  }
0xa7: {  	s23 =	simm.s32 $0x1B8B  }
0xa8: {  	_ =	swait.ge [sflag:s23], $0x1  }
0xa9: {  	[sflag:s23] =	ssyncset.done $0x0  }
0xaa: {  	s25 =	simm.s32 $0x1B8E;
	s24 =	sld [smem:$0x3FFE];
	[sflag:s23] =	ssyncadd.s32 $0xFFFFFFFF  }
0xab: {  	s26 =	simm.s32 $execute0_lowered;
	[smem:$0x3FD2] =	sst s25  }
0xac: {  	s6 =	sshll.u32 s26, $0x1;
	_ =	strace $0x80000046;
	[dreg:$0x1] =	wrdreg $0xFFFFFFFF  }
0xad: {  	s28 =	simm.s32 $_size_execute0_lowered;
	s4 =	sadd.s32 s4, s6;
	[dreg:$0x0] =	wrdreg $0x0  }
0xae: {  	s6 =	sshll.u32 s28, $0x1;
	[dreg:$0x2] =	wrdreg s4  }
0xaf: {  	[dreg:$0x3] =	wrdreg s6  }
0xb0: {  	[dreg:$0x4] =	wrdreg $0xC0  }
0xb1: {  	_ =	task [dreg:s8], $0x5FFFF  }
0xb2: {  	[dreg:$0x1] =	wrdreg $0xFFFFFFFF  }
0xb3: {  	[dreg:$0x0] =	wrdreg $0x60  }
0xb4: {  	[dreg:$0x2] =	wrdreg s24  }
0xb5: {  	[dreg:$0x3] =	wrdreg s16  }
0xb6: {  	[dreg:$0x4] =	wrdreg s17  }
0xb7: {  	[dreg:$0x5] =	wrdreg $0x91780  }
0xb8: {  	[dreg:$0x6] =	wrdreg $0x1C9F80  }
0xb9: {  	[dreg:$0x7] =	wrdreg $0x9  }
0xba: {  	_ =	task.clear_ibuf [dreg:s8], $0x8FFFF;
	_ =	strace $0x90000046  }
0xbb: {  	s29 =	simm.s32 $0x9;
	_ =	strace $0x80000048  }
0xbc: {  	_ =	swait.ge [sflag:s29], $0x1  }
0xbd: {  	[sflag:s29] =	ssyncadd.s32 $0xFFFFFFFF  }
0xbe: {  	_ =	strace $0x90000048  }
0xbf: {  	_ =	sfence  }
0xc0: {  	s30 =	sld [smem:$0x0];
	_ =	sdelay $0x2  }
0xc1: {  	s31 =	sshll.u32 s1, $0xD;
	s1 =	sshrl.u32 s1, $0x2  }
0xc2: {  	s3 =	sand.u32 $0x4000, s31;
	s1 =	sadd.s32 s1, s30  }
0xc3: {  	s0 =	sor.u32 s3, s0;
	s1 =	sshll.u32 s1, $0x11  }
0xc4: {  	s0 =	sor.u32 s1, s0  }
0xc5: {  	s0 =	sadd.s32 $0x8F2B, s0  }
0xc6: {  	[sflag:s0] =	ssyncadd.remote.s32 $0x1  }
0xc7: {  	_ =	sfence.sel $0xFFFF  }
0xc8: {  	[dreg:$0x0] =	wrdreg $0xFFFFFFFF;
	(pc) =	sbr.abs _section_cstart, $3  }
0xc9: {  	[dreg:$0x1] =	wrdreg $0xFFFFFFFF  }
0xca: {  	_ =	task.clear_ibuf [dreg:s8], $0x2FFFF;
	_ =	strace $0x9FFFFFFF  }
0xcb: {  	(tm) =	ssettm $0x7FFFFFFF  }
tec
execute0_lowered:
.L_overlay_start_1:
0x0: {  	(tag) =	ssettag $0x1  }
0x1: {  	s0 =	rddreg [dreg:$0x0]  }
0x2: {  	s3 =	rddreg [dreg:$0x1]  }
0x3: {  	s4 =	rddreg [dreg:$0x2]  }
0x4: {  	s1 =	rddreg [dreg:$0x3]  }
0x5: {  	s2 =	rddreg [dreg:$0x4];
	s5 =	simm.s32 $0x0;
	s7 =	srdreg.scid  }
0x6: {  	s11 =	stileid.u32;
	s17 =	simm.s32 $0x85C0;
	s18 =	simm.s32 $0x5  }
0x7: {  	s19 =	simm.s32 $0x7D;
	s20 =	simm.s32 $0x2800;
	s21 =	simm.s32 $0x80  }
0x8: {  	s22 =	simm.s32 $0x4740;
	s23 =	simm.s32 $0x1;
	s24 =	simm.s32 $0x2  }
0x9: {  	s28 =	simm.s32 $0x40;
	s29 =	simm.s32 $0x3;
	s30 =	simm.s32 $0x1400  }
0xa: {  	s31 =	simm.s32 $0x1480;
	[smem:$0x7FF] =	sst s5;
	s5 =	sadd.s32 $0x1F800, s0  }
0xb: {  	s6 =	sadd.s32 $0xB800, s0;
	s9 =	sand.u32 $0x1, s7;
	s7 =	smul.u32 $0x4E2, s11  }
0xc: {  	s8 =	sadd.s32 $0x1800, s0;
	s12 =	smul.u32 $0x4E200, s11;
	s0 =	sadd.s32 $0x46A00, s0  }
0xd: {  	s13 =	smul.u32 $0x9C40, s11;
	_ =	strace $0x80000047;
	s10 =	ssub.s32 $0x2, s9  }
0xe: {  	[dreg:$0x6] =	wrdreg s0;
	s25 =	sshrl.u32 s10, $0x1;
	s14 =	sshrl.u32 s12, $0x2  }
0xf: {  	s13 =	sshrl.u32 s13, $0x2;
	s0 =	ssub.s32 s10, s25;
	s10 =	smul.u32 $0xA0, s11  }
0x10: {  	s3 =	sadd.s32 s12, s3;
	s11 =	smul.u32 $0x50000, s9;
	s14 =	sadd.s32 s14, s1  }
0x11: {  	s13 =	sadd.s32 s13, s2;
	s9 =	sshll.u32 s9, $0x3;
	[dreg:$0x7] =	wrdreg s14  }
0x12: {  	s25 =	simm.s32 $0x4;
	[dreg:$0x8] =	wrdreg s13;
	s0 =	smax.u32 s0, $0x1  }
0x13: {  	s14 =	sadd.s32 s4, s9;
	s26 =	sadd.s32 s9, s3;
	[dreg:$0x9] =	wrdreg s0  }
0x14: {  	v0 =	vimm.f32 $0.0e+00;
	s3 =	simm.s32 $0x0;
	[dreg:$0xa] =	wrdreg s26;
	s26 =	simm.s32 $0x89A8  }
.LBB2_1:
0x15: {  	[dreg:$0xb] =	wrdreg s3  }
0x16: {  	s0 =	simm.s32 $0x0;
	s16 =	rddreg [dreg:$0x6]  }
0x17: {  	[tilespmem:s17], [sflag:$0x5] =	stream.linear.gather [hbm4b:s16+s0], $0x3E8, $0x38;
	[tilespmem:$0x1F108] =	vst v63  }
0x18: {  	_ =	swait.ge [sflag:s18], $0x3E8  }
0x19: {  	[sflag:s18] =	ssyncset.done $0x0  }
0x1a: {  	s3 =	simm.s32 $0x100;
	s4 =	simm.s32 $0x0;
	[sflag:s18] =	ssyncadd.s32 $0xFFFFFC18  }
.LBB2_2:
0x1b: {  	p0 =	sne.s32 s3, $0x7C00;
	[tilespmem:s4+$0x2830] =	vst v0;
	s0 =	smov.u32 s3;
	s3 =	sadd.s32 $0x100, s3  }
.Ltmp0:
0x1c: {  	[tilespmem:s4+$0x2820] =	vst v0;
	(pc) =	sbr.rel @p0 .LBB2_2-.Ltmp0, $3  }
0x1d: {  	[tilespmem:s4+$0x2800] =	vst v0  }
0x1e: {  	[tilespmem:s4+$0x2810] =	vst v0;
	_ =	sdelay $0x1  }
0x1f: {  	s4 =	sshra.s32 s0, $0x2  }
0x20: {  	[tilespmem:s4+$0x2830] =	vst v0  }
0x21: {  	[tilespmem:s4+$0x2820] =	vst v0  }
0x22: {  	[tilespmem:s4+$0x2800] =	vst v0  }
0x23: {  	s3 =	simm.s32 $0x0;
	[tilespmem:s4+$0x2810] =	vst v0;
	s4 =	rddreg [dreg:$0x8]  }
.LBB2_4:
0x24: {  	s0 =	smul.u32 $0x7D, s3;
	_ =	sdelay $0x1  }
0x25: {  	s0 =	sadd.s32 s7, s0  }
0x26: {  	s0 =	sshll.u32 s0, $0x6  }
0x27: {  	s0 =	sand.u32 $0x3FFFFFC0, s0  }
0x28: {  	s9 =	simm.s32 $0x2800;
	s0 =	sadd.s32 s0, s1  }
0x29: {  	[spmem:s0] =	stream.linear.scatter [tilespmem:s9], [sflag:$0x5], $0x1F40, $0x38;
	[tilespmem:$0x1F108] =	vst v63  }
0x2a: {  	_ =	swait.ge [sflag:s18], $0x1F40  }
0x2b: {  	[sflag:s18] =	ssyncset.done $0x0  }
0x2c: {  	s16 =	sadd.s32 $0x0, s4;
	s12 =	simm.s32 $0x20;
	[sflag:s18] =	ssyncadd.s32 $0xFFFFE0C0  }
0x2d: {  	[spmem:s16] =	stream.linear.scatter [tilespmem:s9], [sflag:$0x5], $0x8, $0x38;
	[tilespmem:$0x1F108] =	vst v63  }
.LBB2_5:
0x2e: {  	p0 =	sne.s32 s12, $0xF80  }
.Ltmp1:
0x2f: {  	_ = 	snop;
	(pc) =	sbr.rel @p0 .LBB2_5-.Ltmp1, $4  }
0x30: {  	_ = 	snop  }
0x31: {  	s0 =	sshra.s32 s12, $0x2;
	s12 =	sadd.s32 $0x20, s12  }
0x32: {  	s9 =	sadd.s32 $0x40, s9;
	s0 =	sadd.s32 s0, s4  }
0x33: {  	[spmem:s0] =	stream.linear.scatter [tilespmem:s9], [sflag:$0x5], $0x8, $0x38;
	[tilespmem:$0x1F108] =	vst v63  }
0x34: {  	s3 =	sadd.s32 $0x1, s3  }
0x35: {  	p0 =	sne.s32 s3, $0xA  }
.Ltmp2:
0x36: {  	_ = 	snop;
	(pc) =	sbr.rel @p0 .LBB2_4-.Ltmp2, $4  }
0x37: {  	_ = 	snop  }
0x38: {  	_ =	swait.ge [sflag:s18], $0x3E8  }
0x39: {  	[sflag:s18] =	ssyncset.done $0x0  }
0x3a: {  	s4 =	sadd.s32 $0x3E8, s4;
	[sflag:s18] =	ssyncadd.s32 $0xFFFFFC18  }
0x3b: {  	[bflag:$0x0] =	sbarrier.arrive $0xFFFF;
	s4 =	simm.s32 $0x0;
	s3 =	simm.s32 $0x0  }
.LBB2_8:
0x3c: {  	s0 =	smul.u32 $0x28, s3;
	_ =	sdelay $0x1  }
0x3d: {  	s0 =	sadd.s32 s10, s0  }
0x3e: {  	s9 =	sshll.u32 s0, $0x7  }
0x3f: {  	s9 =	sadd.s32 s11, s9  }
0x40: {  	s9 =	sshrl.u32 s9, $0x3  }
0x41: {  	s9 =	sadd.s32 s6, s9  }
0x42: {  	[tilespmem:s4], [sflag:$0x5] =	stream.linear.gather [hbm4b:s9+s4], $0x1400, $0x38;
	[tilespmem:$0x1F108] =	vst v63  }
0x43: {  	_ =	swait.ge [sflag:s18], $0x1400  }
0x44: {  	s0 =	sshll.u32 s0, $0x4;
	[sflag:s18] =	ssyncset.done $0x0  }
0x45: {  	s0 =	sadd.s32 s8, s0;
	s9 =	simm.s32 $0x1400;
	[sflag:s18] =	ssyncadd.s32 $0xFFFFEC00  }
0x46: {  	[tilespmem:s9], [sflag:$0x5] =	stream.linear.gather [hbm4b:s0+s4], $0x1400, $0x38;
	[tilespmem:$0x1F108] =	vst v63  }
0x47: {  	_ =	swait.ge [sflag:s18], $0x1400  }
0x48: {  	[sflag:s18] =	ssyncset.done $0x0  }
0x49: {  	[sflag:s18] =	ssyncadd.s32 $0xFFFFEC00  }
0x4a: {  	[tilespmem:s20], [sflag:$0x1] =	stream.indirect.gather [hbm4b:s5+s19], $0x40, s4, s19, $0xb8;
	[tilespmem:$0x1F108] =	vst v63  }
0x4b: {  	s12 =	simm.s32 $0x100;
	s13 =	simm.s32 $0x0  }
0x4c: {  	[tilespmem:s22], [sflag:$0x1] =	stream.indirect.gather [hbm4b:s5+s19], $0x40, s21, s19, $0xb8;
	[tilespmem:$0x1F108] =	vst v63  }
.LBB2_9:
0x4d: {  	_ =	swait.ge [sflag:s23], $0x1F40  }
0x4e: {  	p0 =	seq.s32 s13, $0x0;
	[sflag:s23] =	ssyncset.done $0x0  }
0x4f: {  	s0 =	simm.s32 @!p0 $0x2;
	[sflag:s23] =	ssyncadd.s32 $0xFFFFE0C0  }
0x50: {  	p1 =	sgt.u32 @!p0 s13, $0x25;
	_ =	swait.ge @!p0 [sflag:s0], $0x1F40  }
0x51: {  	p1 =	por p0, !p1;
	[sflag:s0] =	ssyncset.done @!p0 $0x0  }
0x52: {  	[sflag:s0] =	ssyncadd.s32 @!p0 $0xFFFFE0C0;
	s0 =	sadd.s32 @p1 $0x2, s13  }
0x53: {  	s15 =	smul.u32 @p1 $0xAB, s0;
	_ =	sdelay $0x1  }
0x54: {  	s15 =	sshrl.u32 @p1 s15, $0x9  }
0x55: {  	s15 =	sand.u32 @p1 $0x7F, s15  }
0x56: {  	s15 =	smul.u32 @p1 $0x3, s15;
	_ =	sdelay $0x1  }
0x57: {  	s0 =	ssub.s32 @p1 s0, s15  }
0x58: {  	s0 =	sand.u32 @p1 $0xFF, s0  }
0x59: {  	s0 =	smul.u32 @p1 $0x7D00, s0;
	_ =	sdelay $0x1  }
0x5a: {  	s0 =	sshrl.u32 @p1 s0, $0x2  }
0x5b: {  	s16 =	smul.u32 $0xAB, s13;
	s0 =	sadd.s32 @p1 $0x2800, s0  }
0x5c: {  	[tilespmem:s0], [sflag:$0x1] =	stream.indirect.gather @p1 [hbm4b:s5+s19], $0x40, s12, s19, $0xb8;
	[tilespmem:$0x1F108] =	vst v63  }
0x5d: {  	s0 =	sshrl.u32 s16, $0x9  }
0x5e: {  	s0 =	sand.u32 $0x7F, s0  }
0x5f: {  	s0 =	smul.u32 $0x3, s0;
	_ =	sdelay $0x1  }
0x60: {  	s0 =	ssub.s32 s13, s0  }
0x61: {  	s0 =	sand.u32 $0xFF, s0  }
0x62: {  	s0 =	smul.u32 $0x7D00, s0  }
0x63: {  	s13 =	sadd.s32 $0x1, s13  }
0x64: {  	p0 =	sne.s32 s13, $0x28;
	s0 =	sshrl.u32 s0, $0x2  }
.Ltmp3:
0x65: {  	s0 =	sadd.s32 $0x2800, s0;
	(pc) =	sbr.rel @p0 .LBB2_9-.Ltmp3, $4  }
0x66: {  	[spmem:s1] =	stream.indirect.scatter.add.f32 [tilespmem:s0], [sflag:$0x2], $0x40, s9, s19, $0xb8;
	[tilespmem:$0x1F108] =	vst v63  }
0x67: {  	_ = 	snop  }
0x68: {  	[spmem:s2] =	stream.indirect.scatter.add.f32 [tilespmem:s17], [sflag:$0x4], $0x8, s9, s19, $0xb8;
	[tilespmem:$0x1F108] =	vst v63  }
0x69: {  	s12 =	sadd.s32 $0x80, s12;
	s9 =	sadd.s32 $0x80, s9  }
0x6a: {  	_ =	swait.ge [sflag:s24], $0x1F40  }
0x6b: {  	[sflag:s24] =	ssyncset.done $0x0  }
0x6c: {  	[sflag:s24] =	ssyncadd.s32 $0xFFFFE0C0  }
0x6d: {  	_ =	swait.ge [sflag:s25], $0x3E8  }
0x6e: {  	s9 =	simm.s32 $0x27;
	[sflag:s25] =	ssyncset.done $0x0  }
.LBB2_11:
0x6f: {  	p0 =	sne.s32 s9, $0x1;
	s9 =	sadd.s32 $0xFFFFFFFF, s9;
	[sflag:s25] =	ssyncadd.s32 $0xFFFFFC18  }
.Ltmp4:
0x70: {  	(pc) =	sbr.rel @p0 .LBB2_11-.Ltmp4, $3  }
0x71: {  	_ =	sdelay $0x1  }
0x72: {  	_ =	swait.ge [sflag:s25], $0x3E8  }
0x73: {  	[sflag:s25] =	ssyncset.done $0x0  }
0x74: {  	s3 =	sadd.s32 $0x1, s3  }
0x75: {  	p0 =	sne.s32 s3, $0x4  }
.Ltmp5:
0x76: {  	_ = 	snop;
	(pc) =	sbr.rel @p0 .LBB2_8-.Ltmp5, $2  }
0x77: {  	_ =	sdelay $0x2  }
0x78: {  	[sflag:s25] =	ssyncadd.s32 $0xFFFFFC18  }
0x79: {  	[bflag:$0x0] =	sbarrier.arrive $0xFFFF  }
0x7a: {  	s0 =	rddreg [dreg:$0x7]  }
0x7b: {  	[tilespmem:s20], [sflag:$0x1] =	stream.linear.gather [spmem:s0], $0x1F40, $0x38;
	[tilespmem:$0x1F108] =	vst v63  }
0x7c: {  	s3 =	simm.s32 $0x0;
	s16 =	rddreg [dreg:$0x8]  }
0x7d: {  	[tilespmem:s26], [sflag:$0x1] =	stream.linear.gather [spmem:s16], $0x3E8, $0x38;
	[tilespmem:$0x1F108] =	vst v63  }
.LBB2_14:
0x7e: {  	_ =	swait.ge [sflag:s23], $0x1F40  }
0x7f: {  	[sflag:s23] =	ssyncset.done $0x0  }
0x80: {  	[sflag:s23] =	ssyncadd.s32 $0xFFFFE0C0  }
0x81: {  	_ =	swait.ge [sflag:s23], $0x3E8  }
0x82: {  	p0 =	seq.s32 s3, $0x0;
	[sflag:s23] =	ssyncset.done $0x0  }
0x83: {  	s0 =	simm.s32 @!p0 $0x2;
	p1 =	seq.s32 @!p0 s3, $0x9;
	[sflag:s23] =	ssyncadd.s32 $0xFFFFFC18  }
0x84: {  	p1 =	por p0, !p1;
	_ =	swait.ge @!p0 [sflag:s0], $0x1F40  }
.Ltmp6:
0x85: {  	[sflag:s0] =	ssyncset.done @!p0 $0x0;
	(pc) =	sbr.rel @!p1 .LBB2_16-.Ltmp6, $4  }
0x86: {  	[sflag:s0] =	ssyncadd.s32 @!p0 $0xFFFFE0C0;
	s0 =	simm.s32 @!p0 $0x3  }
0x87: {  	_ =	swait.ge @!p0 [sflag:s0], $0x1F40  }
0x88: {  	[sflag:s0] =	ssyncset.done @!p0 $0x0  }
0x89: {  	s9 =	sand.u32 $0x1, s3;
	s4 =	simm.s32 @!p0 $0xA;
	[sflag:s0] =	ssyncadd.s32 @!p0 $0xFFFFE0C0  }
0x8a: {  	s4 =	sadd.s32 @!p0 $0x1, s3  }
0x8b: {  	s4 =	simm.s32 @p0 $0x1  }
0x8c: {  	s12 =	sxor.u32 $0x1, s9;
	s0 =	smul.u32 $0x7D, s4  }
0x8d: {  	s13 =	smul.u32 $0x7D00, s12  }
0x8e: {  	s12 =	smul.u32 $0xFA0, s12;
	s0 =	sadd.s32 s7, s0  }
0x8f: {  	s13 =	sshrl.u32 s13, $0x2;
	s15 =	sshll.u32 s0, $0x6  }
0x90: {  	s12 =	sshrl.u32 s12, $0x2;
	s0 =	sshll.u32 s0, $0x3;
	s15 =	sand.u32 $0x3FFFFFC0, s15  }
0x91: {  	s13 =	sadd.s32 $0x2800, s13;
	s0 =	sand.u32 $0x3FFFFFF8, s0;
	s15 =	sadd.s32 s15, s1  }
0x92: {  	[tilespmem:s13], [sflag:$0x1] =	stream.linear.gather [spmem:s15], $0x1F40, $0x38;
	[tilespmem:$0x1F108] =	vst v63  }
0x93: {  	s12 =	sadd.s32 $0x89A8, s12;
	s0 =	sadd.s32 s0, s2  }
0x94: {  	[tilespmem:s12], [sflag:$0x1] =	stream.linear.gather [spmem:s0], $0x3E8, $0x38;
	[tilespmem:$0x1F108] =	vst v63  }
.LBB2_16:
0x95: {  	s16 =	smul.u32 $0x7D, s9;
	_ =	sdelay $0x1  }
0x96: {  	s0 =	sadd.s32 $0x0, s16  }
0x97: {  	s0 =	sshll.u32 s0, $0x3  }
0x98: {  	v1 =	vmov s0;
	_ =	sdelay $0x4  }
0x99: {  	v1 =	vld.idx.msk [tilespmem:v1+s26+$0x0], $0xffff;
	_ =	sdelay $0x3  }
0x9a: {  	s12 =	smul.u32 $0x7D00, s9  }
0x9b: {  	(erf) = vrcp.f32 v1  }
0x9c: {  	s0 =	sshrl.u32 s12, $0x2  }
0x9d: {  	s15 =	sadd.s32 $0x2820, s0  }
0x9e: {  	v2 =	vld [tilespmem:s15+$0xFFFFFFF0]  }
0x9f: {  	s3 =	smul.u32 $0x7D, s3;
	v4 =	vld [tilespmem:s15+$0xFFFFFFE0]  }
0xa0: {  	v3 =	vld [tilespmem:s15+$0x0]  }
0xa1: {  	s3 =	sadd.s32 s7, s3;
	v1 =	vld [tilespmem:s15+$0x10]  }
0xa2: {  	s12 =	sshll.u32 s3, $0x6  }
0xa3: {  	s9 =	sadd.s32 $0x2800, s0;
	s13 =	sand.u32 $0x3FFFFFC0, s12  }
0xa4: {  	s0 =	sadd.s32 $0x1, s16;
	s12 =	sadd.s32 s13, s1;
	s13 =	simm.s32 $0x2;
	v5 =	vpop (erf)  }
.LBB2_17:
0xa5: {  	p0 =	sne.s32 s13, $0x7C;
	s0 =	sshll.u32 s0, $0x3;
	v4 =	vmul.f32 v5, v4;
	v2 =	vmul.f32 v2, v5  }
0xa6: {  	v1 =	vmul.f32 v1, v5;
	v6 =	vmov s0;
	v3 =	vmul.f32 v3, v5  }
0xa7: {  	[tilespmem:s15+$0xFFFFFFE0] =	vst v4  }
0xa8: {  	[tilespmem:s15+$0xFFFFFFF0] =	vst v2  }
0xa9: {  	[tilespmem:s15+$0x0] =	vst v3  }
0xaa: {  	[tilespmem:s15+$0x10] =	vst v1  }
0xab: {  	v1 =	vld.idx.msk [tilespmem:v6+s26+$0x0], $0xffff;
	_ =	sdelay $0x5  }
0xac: {  	(erf) = vrcp.f32 v1;
	_ =	sdelay $0x1  }
0xad: {  	s15 =	sadd.s32 $0x40, s15  }
0xae: {  	v2 =	vld [tilespmem:s15+$0xFFFFFFF0]  }
0xaf: {  	v1 =	vld [tilespmem:s15+$0x10]  }
.Ltmp7:
0xb0: {  	v4 =	vld [tilespmem:s15+$0xFFFFFFE0];
	(pc) =	sbr.rel @p0 .LBB2_17-.Ltmp7, $2  }
0xb1: {  	v3 =	vld [tilespmem:s15+$0x0];
	_ =	sdelay $0x2  }
0xb2: {  	s0 =	sadd.s32 s13, s16;
	s13 =	sadd.s32 $0x1, s13;
	v5 =	vpop (erf)  }
0xb3: {  	s0 =	sshll.u32 s0, $0x3;
	v4 =	vmul.f32 v5, v4  }
0xb4: {  	v2 =	vmul.f32 v2, v5;
	v6 =	vmov s0  }
0xb5: {  	v1 =	vmul.f32 v1, v5;
	[tilespmem:s15+$0xFFFFFFE0] =	vst v4  }
0xb6: {  	v3 =	vmul.f32 v3, v5;
	[tilespmem:s15+$0xFFFFFFF0] =	vst v2  }
0xb7: {  	[tilespmem:s15+$0x10] =	vst v1  }
0xb8: {  	[tilespmem:s15+$0x0] =	vst v3  }
0xb9: {  	v1 =	vld.idx.msk [tilespmem:v6+s26+$0x0], $0xffff;
	_ =	sdelay $0x4  }
0xba: {  	(erf) = vrcp.f32 v1;
	_ =	sdelay $0x3  }
0xbb: {  	s15 =	sadd.s32 $0x40, s15  }
0xbc: {  	v1 =	vld [tilespmem:s15+$0xFFFFFFE0]  }
0xbd: {  	v2 =	vld [tilespmem:s15+$0xFFFFFFF0]  }
0xbe: {  	v3 =	vld [tilespmem:s15+$0x0]  }
0xbf: {  	v4 =	vld [tilespmem:s15+$0x10]  }
0xc0: {  	v63 =	vpop (erf)  }
0xc1: {  	v1 =	vmul.f32 v63, v1  }
0xc2: {  	v2 =	vmul.f32 v2, v63  }
0xc3: {  	v3 =	vmul.f32 v3, v63;
	[tilespmem:s15+$0xFFFFFFE0] =	vst v1  }
0xc4: {  	p0 =	slt.u32 s4, $0xA;
	v1 =	vmul.f32 v4, v63;
	[tilespmem:s15+$0xFFFFFFF0] =	vst v2  }
.Ltmp8:
0xc5: {  	[tilespmem:s15+$0x0] =	vst v3;
	(pc) =	sbr.rel @p0 .LBB2_14-.Ltmp8, $4  }
0xc6: {  	s16 =	sshll.u32 s3, $0x4;
	[tilespmem:s15+$0x10] =	vst v1  }
0xc7: {  	[spmem:s12] =	stream.linear.scatter [tilespmem:s9], [sflag:$0x2], $0x1F40, $0x38;
	[tilespmem:$0x1F108] =	vst v63  }
0xc8: {  	s3 =	smov.u32 s4;
	s0 =	sadd.s32 s16, s14  }
0xc9: {  	[hbm4b:s0+s28] =	stream.strided.scatter [tilespmem:s9], [sflag:$0x3], $0x1F40, s21, s28, $0x38;
	[tilespmem:$0x1F108] =	vst v63  }
0xca: {  	_ =	swait.ge [sflag:s24], $0x1F40  }
0xcb: {  	[sflag:s24] =	ssyncset.done $0x0  }
0xcc: {  	[sflag:s24] =	ssyncadd.s32 $0xFFFFE0C0  }
0xcd: {  	_ =	swait.ge [sflag:s29], $0x1F40  }
0xce: {  	[sflag:s29] =	ssyncset.done $0x0  }
0xcf: {  	[sflag:s29] =	ssyncadd.s32 $0xFFFFE0C0  }
0xd0: {  	[bflag:$0x0] =	sbarrier.arrive $0xFFFF  }
0xd1: {  	s3 =	simm.s32 $0x0;
	s9 =	simm.s32 $0x0;
	s4 =	rddreg [dreg:$0xa]  }
.LBB2_20:
0xd2: {  	s0 =	smul.u32 $0x28, s9;
	_ =	sdelay $0x1  }
0xd3: {  	s0 =	sadd.s32 s10, s0  }
0xd4: {  	s0 =	sshll.u32 s0, $0x4  }
0xd5: {  	s0 =	sadd.s32 s8, s0  }
0xd6: {  	[tilespmem:s30], [sflag:$0x5] =	stream.linear.gather [hbm4b:s0+s3], $0x1400, $0x38;
	[tilespmem:$0x1F108] =	vst v63  }
0xd7: {  	_ =	swait.ge [sflag:s18], $0x1400  }
0xd8: {  	[sflag:s18] =	ssyncset.done $0x0  }
0xd9: {  	[sflag:s18] =	ssyncadd.s32 $0xFFFFEC00  }
0xda: {  	[tilespmem:s20], [sflag:$0x1] =	stream.indirect.gather [spmem:s1], $0x40, s30, s19, $0xb8;
	[tilespmem:$0x1F108] =	vst v63  }
0xdb: {  	s12 =	simm.s32 $0x1500;
	s13 =	smov.u32 s4;
	s15 =	simm.s32 $0x0  }
0xdc: {  	[tilespmem:s22], [sflag:$0x1] =	stream.indirect.gather [spmem:s1], $0x40, s31, s19, $0xb8;
	[tilespmem:$0x1F108] =	vst v63  }
.LBB2_21:
0xdd: {  	_ =	swait.ge [sflag:s23], $0x1F40  }
0xde: {  	p0 =	seq.s32 s15, $0x0;
	[sflag:s23] =	ssyncset.done $0x0  }
0xdf: {  	s0 =	simm.s32 @!p0 $0x3;
	[sflag:s23] =	ssyncadd.s32 $0xFFFFE0C0  }
0xe0: {  	p1 =	sgt.u32 @!p0 s15, $0x25;
	_ =	swait.ge @!p0 [sflag:s0], $0x1F40  }
0xe1: {  	p1 =	por p0, !p1;
	[sflag:s0] =	ssyncset.done @!p0 $0x0  }
0xe2: {  	[sflag:s0] =	ssyncadd.s32 @!p0 $0xFFFFE0C0;
	s0 =	sadd.s32 @p1 $0x2, s15  }
0xe3: {  	s16 =	smul.u32 @p1 $0xAB, s0;
	_ =	sdelay $0x1  }
0xe4: {  	s16 =	sshrl.u32 @p1 s16, $0x9  }
0xe5: {  	s16 =	sand.u32 @p1 $0x7F, s16  }
0xe6: {  	s16 =	smul.u32 @p1 $0x3, s16;
	_ =	sdelay $0x1  }
0xe7: {  	s0 =	ssub.s32 @p1 s0, s16  }
0xe8: {  	s0 =	sand.u32 @p1 $0xFF, s0  }
0xe9: {  	s0 =	smul.u32 @p1 $0x7D00, s0;
	_ =	sdelay $0x1  }
0xea: {  	s0 =	sshrl.u32 @p1 s0, $0x2  }
0xeb: {  	s16 =	smul.u32 $0xAB, s15;
	s0 =	sadd.s32 @p1 $0x2800, s0  }
0xec: {  	[tilespmem:s0], [sflag:$0x1] =	stream.indirect.gather @p1 [spmem:s1], $0x40, s12, s19, $0xb8;
	[tilespmem:$0x1F108] =	vst v63  }
0xed: {  	s0 =	sshrl.u32 s16, $0x9  }
0xee: {  	s0 =	sand.u32 $0x7F, s0  }
0xef: {  	s0 =	smul.u32 $0x3, s0;
	_ =	sdelay $0x1  }
0xf0: {  	s0 =	ssub.s32 s15, s0  }
0xf1: {  	s15 =	sadd.s32 $0x1, s15;
	s0 =	sand.u32 $0xFF, s0  }
0xf2: {  	p0 =	sne.s32 s15, $0x28;
	s0 =	smul.u32 $0x7D00, s0  }
.Ltmp9:
0xf3: {  	_ = 	snop;
	(pc) =	sbr.rel @p0 .LBB2_21-.Ltmp9, $4  }
0xf4: {  	s0 =	sshrl.u32 s0, $0x2  }
0xf5: {  	s0 =	sadd.s32 $0x2800, s0  }
0xf6: {  	[hbm4b:s13+s28] =	stream.strided.scatter [tilespmem:s0], [sflag:$0x3], $0x1F40, s21, s28, $0x38;
	[tilespmem:$0x1F108] =	vst v63  }
0xf7: {  	s12 =	sadd.s32 $0x80, s12;
	s13 =	sadd.s32 $0x7D0, s13  }
0xf8: {  	s9 =	sadd.s32 $0x1, s9  }
0xf9: {  	p0 =	sne.s32 s9, $0x4  }
.Ltmp10:
0xfa: {  	_ = 	snop;
	(pc) =	sbr.rel @p0 .LBB2_20-.Ltmp10, $4  }
0xfb: {  	_ = 	snop  }
0xfc: {  	_ =	swait.ge [sflag:s29], $0x1F40  }
0xfd: {  	[sflag:s29] =	ssyncset.done $0x0  }
0xfe: {  	s4 =	sadd.s32 $0x13880, s4;
	[sflag:s29] =	ssyncadd.s32 $0xFFFFE0C0  }
0xff: {  	s3 =	rddreg [dreg:$0xb]  }
0x100: {  	s0 =	rddreg [dreg:$0x9];
	s3 =	sadd.s32 $0x1, s3  }
0x101: {  	p0 =	sne.s32 s3, s0  }
.Ltmp11:
0x102: {  	_ = 	snop;
	(pc) =	sbr.rel @p0 .LBB2_1-.Ltmp11, $1  }
0x103: {  	_ =	sdelay $0x3  }
0x104: {  	_ =	sfence.sel $0x180000  }
0x105: {  	[bflag:$0x0] =	sbarrier.arrive $0xFFFF  }
0x106: {  	_ =	strace $0x90000047  }
0x107: {  	s0 =	stileid.u32;
	[bflag:$0x2] =	sbarrier.arrive $0xFFFF  }
0x108: {  	p0 =	sne.s32 s0, $0x0;
	s0 =	rddreg [dreg:$0x5]  }
0x109: {  	s0 =	sadd.s32 @!p0 $0x100000, s0  }
0x10a: {  	[sflag:s0] =	ssyncadd.tile.s32 @!p0 $0x1;
	_ =	shalt  }
.Lfunc_end2:
_tile_overlayer_lowered:
.L_overlay_start_2:
0x10b: {  	(tag) =	ssettag $0x2  }
0x10c: {  	s0 =	rddreg [dreg:$0x0];
	s2 =	stileid.u32  }
0x10d: {  	s1 =	rddreg [dreg:$0x1];
	p0 =	sne.s32 s2, $0x0  }
0x10e: {  	s3 =	rddreg [dreg:$0x2];
	[bflag:$0x3] =	sbarrier.arrive $0xFFFF;
	s2 =	simm.s32 @!p0 $0x1C05  }
0x10f: {  	[timem:s3], [sflag:s2] =	dma.local @!p0 [hbm:s0], s1  }
0x110: {  	s0 =	simm.s32 @!p0 $0x5  }
0x111: {  	_ =	swait.ge @!p0 [sflag:s0], s1  }
0x112: {  	s1 =	ssub.s32 @!p0 $0x0, s1;
	[sflag:s0] =	ssyncset.done @!p0 $0x0  }
0x113: {  	[sflag:s0] =	ssyncadd.s32 @!p0 s1  }
0x114: {  	[bflag:$0x3] =	sbarrier.arrive $0xFFFF  }
0x115: {  	_ =	shalt  }

</sc_bundles>
